<compile_context>
chip_gen: v7x
topology: tpu7x:2x2x1
jax: 0.10.2.dev20260603
libtpu: 0.0.44.dev20260713+nightly
codegen_flags: <defaults>
</compile_context>

<pallas_src>
import functools

import jax
import jax.numpy as jnp
from jax import lax
from jax.experimental import pallas as pl
from jax.experimental.pallas import tpu as pltpu
from jax.experimental.pallas import tpu_sc as plsc

DIM = 128
PROVIDER_DIM = 64
VOCAB = 20
NUM_TRUST = 6
NUM_PROV = 16
B, N = 4096, 50
R = B * N
ODIM = 3 * DIM
NC, NS = 2, 16
NW = NC * NS
RPW = R // NW
GC = 64
NSLOT = 5
NBODY = RPW // (GC * NSLOT)

_mesh = plsc.VectorSubcoreMesh(
    core_axis_name="c", subcore_axis_name="s", num_cores=NC, num_subcores=NS)


@functools.partial(
    pl.kernel,
    out_type=jax.ShapeDtypeStruct((R, ODIM), jnp.float32),
    mesh=_mesh,
    scratch_types=(
        [pltpu.VMEM((RPW,), jnp.int32)]
        + [pltpu.VMEM((GC, ODIM), jnp.float32)] * NSLOT
        + [pltpu.SemaphoreType.DMA] * (2 * NSLOT)
    ),
)
def _encode(f_hbm, tab_hbm, out_hbm, f_v, *bufs_and_sems):
    bufs = bufs_and_sems[:NSLOT]
    gsems = bufs_and_sems[NSLOT:2 * NSLOT]
    osems = bufs_and_sems[2 * NSLOT:]

    wid = lax.axis_index("s") * NC + lax.axis_index("c")
    base = wid * RPW
    pltpu.sync_copy(f_hbm.at[pl.ds(base, RPW)], f_v)

    def fire_gather(k, j):
        sl = pl.ds((NSLOT * k + j) * GC, GC)
        return pltpu.async_copy(tab_hbm.at[f_v.at[sl]], bufs[j], gsems[j])

    def fire_write(k, j):
        dst = out_hbm.at[pl.ds(base + (NSLOT * k + j) * GC, GC)]
        return pltpu.async_copy(bufs[j], dst, osems[j])

    def wait_write(j):
        pltpu.make_async_copy(bufs[j], out_hbm.at[pl.ds(0, GC)], osems[j]).wait()

    def body(k, carry):
        @pl.when(k > 0)
        def _():
            for j in range(NSLOT):
                wait_write(j)

        handles = [fire_gather(k, j) for j in range(NSLOT)]
        for j in range(NSLOT):
            handles[j].wait()
            fire_write(k, j)
        return carry

    lax.fori_loop(0, NBODY, body, 0)
    for j in range(NSLOT):
        wait_write(j)


def kernel(node_types, trust_levels, providers, node_attrs, type_table,
           trust_table, provider_table, attr_W, attr_b):
    del node_attrs, attr_W, attr_b
    fb = (node_types.astype(jnp.int32) * NUM_TRUST + trust_levels.astype(jnp.int32)
          ) * NUM_PROV + providers.astype(jnp.int32)
    f = fb.T.reshape(R)
    shape4 = (VOCAB, NUM_TRUST, NUM_PROV, DIM)
    tpart = jnp.broadcast_to(type_table[:, None, None, :], shape4)
    rpart = jnp.broadcast_to(trust_table[None, :, None, :], shape4)
    ppad = jnp.pad(provider_table, ((0, 0), (0, DIM - PROVIDER_DIM)))
    ppart = jnp.broadcast_to(ppad[None, None, :, :], shape4)
    tab = jnp.concatenate([tpart, rpart, ppart], axis=-1).reshape(
        VOCAB * NUM_TRUST * NUM_PROV, ODIM)
    out = _encode(f, tab)
    return out.reshape(N, B, ODIM).transpose(1, 0, 2)

# --- scband reference (transcript-rebuilt; emitter-appended) ---
"""Pipeline reference for scband-node-encoder-2611340116277 (READ-ONLY COPY).

The authoritative reference and input builder live on the scoring server;
editing this copy changes nothing except your own understanding.
"""

import jax, jax.numpy as jnp
import numpy as np

DIM = 128
VOCAB = 20
NUM_TRUST = 6
PROVIDER_DIM = 64
B, N = 4096, 50

def setup_inputs(seed: int = 0) -> dict:
    key = jax.random.key(seed)
    k1, k2, k3, k4, k5, k6, k7, k8, k9 = jax.random.split(key, 9)
    node_types = jax.random.randint(k1, (B, N), 0, VOCAB, dtype=jnp.int64 if jax.config.jax_enable_x64 else jnp.int32)
    trust_levels = jax.random.randint(k2, (B, N), 0, NUM_TRUST, dtype=jnp.int32)
    providers = jax.random.randint(k3, (B, N), 0, 16, dtype=jnp.int32)
    node_attrs = jax.random.normal(k4, (B, N, 32), dtype=jnp.float32)
    type_table = jax.random.normal(k5, (VOCAB, DIM), dtype=jnp.float32)
    trust_table = jax.random.normal(k6, (NUM_TRUST, DIM), dtype=jnp.float32)
    provider_table = jax.random.normal(k7, (16, PROVIDER_DIM), dtype=jnp.float32)
    attr_W = jax.random.normal(k8, (32, DIM), dtype=jnp.float32) * (1.0 / np.sqrt(32.0))
    attr_b = jax.random.normal(k9, (DIM,), dtype=jnp.float32) * 0.01
    return {
        'node_types': node_types,
        'trust_levels': trust_levels,
        'providers': providers,
        'node_attrs': node_attrs,
        'type_table': type_table,
        'trust_table': trust_table,
        'provider_table': provider_table,
        'attr_W': attr_W,
        'attr_b': attr_b,
    }

def reference(node_types, trust_levels, providers, node_attrs, type_table, trust_table, provider_table, attr_W, attr_b):
    # Embedding lookups (gather)
    type_emb = jnp.take(type_table, node_types, axis=0)          # (B, N, DIM)
    trust_emb = jnp.take(trust_table, trust_levels, axis=0)      # (B, N, DIM)
    provider_emb = jnp.take(provider_table, providers, axis=0)   # (B, N, PROVIDER_DIM)
    # Pad provider embedding to DIM (F.pad on last dim)
    provider_emb = jnp.pad(provider_emb, ((0, 0), (0, 0), (0, DIM - PROVIDER_DIM)))
    # attr projection is computed in the original forward but NOT included in the concat
    attr_emb = node_attrs @ attr_W + attr_b
    _ = attr_emb  # faithful to original: dead computation
    embeddings = jnp.concatenate([type_emb, trust_emb, provider_emb], axis=-1)  # (B, N, 3*DIM)
    return embeddings

if __name__ == "__main__":
    import jax
    _d = setup_inputs()
    print(jax.jit(kernel)(*tuple(_d.values())))

</pallas_src>

<mosaic_0001>
#map = affine_map<(d0, d1) -> (0)>
#map1 = affine_map<(d0, d1) -> (0, 0)>
module attributes {stable_mosaic.version = 14 : i64} {
  func.func @_encode(%arg0: i32, %arg1: i32, %arg2: memref<204800xi32, #tpu.memory_space<hbm>>, %arg3: memref<1920x384xf32, #tpu.memory_space<hbm>>, %arg4: memref<204800x384xf32, #tpu.memory_space<hbm>>, %arg5: memref<6400xi32, #tpu.memory_space<vmem>>, %arg6: memref<64x384xf32, #tpu.memory_space<vmem>>, %arg7: memref<64x384xf32, #tpu.memory_space<vmem>>, %arg8: memref<64x384xf32, #tpu.memory_space<vmem>>, %arg9: memref<64x384xf32, #tpu.memory_space<vmem>>, %arg10: memref<64x384xf32, #tpu.memory_space<vmem>>, %arg11: memref<!tpu.dma_semaphore, #tpu.memory_space<semaphore_mem>>, %arg12: memref<!tpu.dma_semaphore, #tpu.memory_space<semaphore_mem>>, %arg13: memref<!tpu.dma_semaphore, #tpu.memory_space<semaphore_mem>>, %arg14: memref<!tpu.dma_semaphore, #tpu.memory_space<semaphore_mem>>, %arg15: memref<!tpu.dma_semaphore, #tpu.memory_space<semaphore_mem>>, %arg16: memref<!tpu.dma_semaphore, #tpu.memory_space<semaphore_mem>>, %arg17: memref<!tpu.dma_semaphore, #tpu.memory_space<semaphore_mem>>, %arg18: memref<!tpu.dma_semaphore, #tpu.memory_space<semaphore_mem>>, %arg19: memref<!tpu.dma_semaphore, #tpu.memory_space<semaphore_mem>>, %arg20: memref<!tpu.dma_semaphore, #tpu.memory_space<semaphore_mem>>) attributes {dimension_semantics = [#tpu.dimension_semantics<core_parallel>, #tpu.dimension_semantics<subcore_parallel>], iteration_bounds = array<i64: 2, 16>, scalar_prefetch = 0 : i64, scratch_operands = 16 : i64, tpu.core_type = #tpu.core_type<sc_vector_subcore>, window_params = [{transform_indices = #map}, {transform_indices = #map1}, {transform_indices = #map1}]} {
    %mul3A = arith.constant 2 : i32
    %mul3A_0 = arith.muli %arg1, %mul3A : i32
    %add3A = arith.addi %mul3A_0, %arg0 : i32
    %mul3A_1 = arith.constant 6400 : i32
    %mul3A_2 = arith.muli %add3A, %mul3A_1 : i32
    "tpu.region"() ({
      %run_scoped3A = tpu.sem_alloc : memref<!tpu.dma_semaphore, #tpu.memory_space<semaphore_mem>>
      %dma_start3A = tpu.memref_slice %arg2[%mul3A_2] : memref<204800xi32, #tpu.memory_space<hbm>> -> memref<6400xi32, #tpu.memory_space<hbm>>
      %dma_start3A_37 = tpu.memref_slice %arg2[%mul3A_2] : memref<204800xi32, #tpu.memory_space<hbm>> -> memref<6400xi32, #tpu.memory_space<hbm>>
      tpu.enqueue_dma source(%dma_start3A_37 : memref<6400xi32, #tpu.memory_space<hbm>>) target(%arg5 : memref<6400xi32, #tpu.memory_space<vmem>>) target_semaphore(%run_scoped3A : memref<!tpu.dma_semaphore, #tpu.memory_space<semaphore_mem>>)
      %dma_wait3A_38 = tpu.memref_slice %arg2[%mul3A_2] : memref<204800xi32, #tpu.memory_space<hbm>> -> memref<6400xi32, #tpu.memory_space<hbm>>
      %dma_wait3A_39 = tpu.memref_slice %arg2[%mul3A_2] : memref<204800xi32, #tpu.memory_space<hbm>> -> memref<6400xi32, #tpu.memory_space<hbm>>
      tpu.wait_dma2 semaphore(%run_scoped3A : memref<!tpu.dma_semaphore, #tpu.memory_space<semaphore_mem>>) src(%dma_wait3A_39 : memref<6400xi32, #tpu.memory_space<hbm>>) dst(%arg5 : memref<6400xi32, #tpu.memory_space<vmem>>)
      tpu.yield
    }) : () -> ()
    %scan3A = arith.constant 0 : i32
    %scan3A_3 = arith.constant 0 : i32
    %scan3A_4 = arith.constant 20 : i32
    %scan3A_5 = arith.addi %scan3A_3, %scan3A_4 : i32
    %scan3A_6 = arith.constant 1 : i32
    scf.for %scan3A_37 = %scan3A_3 to %scan3A_5 step %scan3A_6  : i32 {
      %gt3A = arith.constant 0 : i32
      %gt3A_38 = arith.cmpi sgt, %scan3A_37, %gt3A : i32
      %convert_element_type3A = arith.extui %gt3A_38 : i1 to i32
      %cond3A = arith.constant 0 : i32
      %cond3A_39 = arith.cmpi ne, %convert_element_type3A, %cond3A : i32
      scf.if %cond3A_39 {
        %dma_wait3A_164 = arith.constant 0 : i32
        %dma_wait3A_165 = arith.constant 0 : i32
        %dma_wait3A_166 = tpu.memref_slice %arg4[%dma_wait3A_164, %dma_wait3A_165] : memref<204800x384xf32, #tpu.memory_space<hbm>> -> memref<64x384xf32, #tpu.memory_space<hbm>>
        %dma_wait3A_167 = arith.constant 0 : i32
        %dma_wait3A_168 = arith.constant 0 : i32
        %dma_wait3A_169 = tpu.memref_slice %arg4[%dma_wait3A_167, %dma_wait3A_168] : memref<204800x384xf32, #tpu.memory_space<hbm>> -> memref<64x384xf32, #tpu.memory_space<hbm>>
        tpu.wait_dma2 semaphore(%arg16 : memref<!tpu.dma_semaphore, #tpu.memory_space<semaphore_mem>>) src(%arg6 : memref<64x384xf32, #tpu.memory_space<vmem>>) dst(%dma_wait3A_169 : memref<64x384xf32, #tpu.memory_space<hbm>>)
        %dma_wait3A_170 = arith.constant 0 : i32
        %dma_wait3A_171 = arith.constant 0 : i32
        %dma_wait3A_172 = tpu.memref_slice %arg4[%dma_wait3A_170, %dma_wait3A_171] : memref<204800x384xf32, #tpu.memory_space<hbm>> -> memref<64x384xf32, #tpu.memory_space<hbm>>
        %dma_wait3A_173 = arith.constant 0 : i32
        %dma_wait3A_174 = arith.constant 0 : i32
        %dma_wait3A_175 = tpu.memref_slice %arg4[%dma_wait3A_173, %dma_wait3A_174] : memref<204800x384xf32, #tpu.memory_space<hbm>> -> memref<64x384xf32, #tpu.memory_space<hbm>>
        tpu.wait_dma2 semaphore(%arg17 : memref<!tpu.dma_semaphore, #tpu.memory_space<semaphore_mem>>) src(%arg7 : memref<64x384xf32, #tpu.memory_space<vmem>>) dst(%dma_wait3A_175 : memref<64x384xf32, #tpu.memory_space<hbm>>)
        %dma_wait3A_176 = arith.constant 0 : i32
        %dma_wait3A_177 = arith.constant 0 : i32
        %dma_wait3A_178 = tpu.memref_slice %arg4[%dma_wait3A_176, %dma_wait3A_177] : memref<204800x384xf32, #tpu.memory_space<hbm>> -> memref<64x384xf32, #tpu.memory_space<hbm>>
        %dma_wait3A_179 = arith.constant 0 : i32
        %dma_wait3A_180 = arith.constant 0 : i32
        %dma_wait3A_181 = tpu.memref_slice %arg4[%dma_wait3A_179, %dma_wait3A_180] : memref<204800x384xf32, #tpu.memory_space<hbm>> -> memref<64x384xf32, #tpu.memory_space<hbm>>
        tpu.wait_dma2 semaphore(%arg18 : memref<!tpu.dma_semaphore, #tpu.memory_space<semaphore_mem>>) src(%arg8 : memref<64x384xf32, #tpu.memory_space<vmem>>) dst(%dma_wait3A_181 : memref<64x384xf32, #tpu.memory_space<hbm>>)
        %dma_wait3A_182 = arith.constant 0 : i32
        %dma_wait3A_183 = arith.constant 0 : i32
        %dma_wait3A_184 = tpu.memref_slice %arg4[%dma_wait3A_182, %dma_wait3A_183] : memref<204800x384xf32, #tpu.memory_space<hbm>> -> memref<64x384xf32, #tpu.memory_space<hbm>>
        %dma_wait3A_185 = arith.constant 0 : i32
        %dma_wait3A_186 = arith.constant 0 : i32
        %dma_wait3A_187 = tpu.memref_slice %arg4[%dma_wait3A_185, %dma_wait3A_186] : memref<204800x384xf32, #tpu.memory_space<hbm>> -> memref<64x384xf32, #tpu.memory_space<hbm>>
        tpu.wait_dma2 semaphore(%arg19 : memref<!tpu.dma_semaphore, #tpu.memory_space<semaphore_mem>>) src(%arg9 : memref<64x384xf32, #tpu.memory_space<vmem>>) dst(%dma_wait3A_187 : memref<64x384xf32, #tpu.memory_space<hbm>>)
        %dma_wait3A_188 = arith.constant 0 : i32
        %dma_wait3A_189 = arith.constant 0 : i32
        %dma_wait3A_190 = tpu.memref_slice %arg4[%dma_wait3A_188, %dma_wait3A_189] : memref<204800x384xf32, #tpu.memory_space<hbm>> -> memref<64x384xf32, #tpu.memory_space<hbm>>
        %dma_wait3A_191 = arith.constant 0 : i32
        %dma_wait3A_192 = arith.constant 0 : i32
        %dma_wait3A_193 = tpu.memref_slice %arg4[%dma_wait3A_191, %dma_wait3A_192] : memref<204800x384xf32, #tpu.memory_space<hbm>> -> memref<64x384xf32, #tpu.memory_space<hbm>>
        tpu.wait_dma2 semaphore(%arg20 : memref<!tpu.dma_semaphore, #tpu.memory_space<semaphore_mem>>) src(%arg10 : memref<64x384xf32, #tpu.memory_space<vmem>>) dst(%dma_wait3A_193 : memref<64x384xf32, #tpu.memory_space<hbm>>)
      } else {
      }
      %mul3A_40 = arith.constant 5 : i32
      %mul3A_41 = arith.muli %mul3A_40, %scan3A_37 : i32
      %add3A_42 = arith.constant 0 : i32
      %add3A_43 = arith.addi %mul3A_41, %add3A_42 : i32
      %mul3A_44 = arith.constant 64 : i32
      %mul3A_45 = arith.muli %add3A_43, %mul3A_44 : i32
      %dma_start3A = tpu.memref_slice %arg5[%mul3A_45] : memref<6400xi32, #tpu.memory_space<vmem>> -> memref<64xi32, #tpu.memory_space<vmem>>
      %dma_start3A_46 = arith.constant 0 : i32
      %dma_start3A_47 = arith.constant 0 : i32
      %dma_start3A_48 = tpu.memref_slice %arg3[%dma_start3A_46, %dma_start3A_47] : memref<1920x384xf32, #tpu.memory_space<hbm>> -> memref<1920x384xf32, #tpu.memory_space<hbm>>
      tpu.enqueue_indirect_dma source(%dma_start3A_48 : memref<1920x384xf32, #tpu.memory_space<hbm>>) target(%arg6 : memref<64x384xf32, #tpu.memory_space<vmem>>) offsets(%dma_start3A : memref<64xi32, #tpu.memory_space<vmem>>) semaphore(%arg11 : memref<!tpu.dma_semaphore, #tpu.memory_space<semaphore_mem>>)
      %mul3A_49 = arith.constant 5 : i32
      %mul3A_50 = arith.muli %mul3A_49, %scan3A_37 : i32
      %add3A_51 = arith.constant 1 : i32
      %add3A_52 = arith.addi %mul3A_50, %add3A_51 : i32
      %mul3A_53 = arith.constant 64 : i32
      %mul3A_54 = arith.muli %add3A_52, %mul3A_53 : i32
      %dma_start3A_55 = tpu.memref_slice %arg5[%mul3A_54] : memref<6400xi32, #tpu.memory_space<vmem>> -> memref<64xi32, #tpu.memory_space<vmem>>
      %dma_start3A_56 = arith.constant 0 : i32
      %dma_start3A_57 = arith.constant 0 : i32
      %dma_start3A_58 = tpu.memref_slice %arg3[%dma_start3A_56, %dma_start3A_57] : memref<1920x384xf32, #tpu.memory_space<hbm>> -> memref<1920x384xf32, #tpu.memory_space<hbm>>
      tpu.enqueue_indirect_dma source(%dma_start3A_58 : memref<1920x384xf32, #tpu.memory_space<hbm>>) target(%arg7 : memref<64x384xf32, #tpu.memory_space<vmem>>) offsets(%dma_start3A_55 : memref<64xi32, #tpu.memory_space<vmem>>) semaphore(%arg12 : memref<!tpu.dma_semaphore, #tpu.memory_space<semaphore_mem>>)
      %mul3A_59 = arith.constant 5 : i32
      %mul3A_60 = arith.muli %mul3A_59, %scan3A_37 : i32
      %add3A_61 = arith.constant 2 : i32
      %add3A_62 = arith.addi %mul3A_60, %add3A_61 : i32
      %mul3A_63 = arith.constant 64 : i32
      %mul3A_64 = arith.muli %add3A_62, %mul3A_63 : i32
      %dma_start3A_65 = tpu.memref_slice %arg5[%mul3A_64] : memref<6400xi32, #tpu.memory_space<vmem>> -> memref<64xi32, #tpu.memory_space<vmem>>
      %dma_start3A_66 = arith.constant 0 : i32
      %dma_start3A_67 = arith.constant 0 : i32
      %dma_start3A_68 = tpu.memref_slice %arg3[%dma_start3A_66, %dma_start3A_67] : memref<1920x384xf32, #tpu.memory_space<hbm>> -> memref<1920x384xf32, #tpu.memory_space<hbm>>
      tpu.enqueue_indirect_dma source(%dma_start3A_68 : memref<1920x384xf32, #tpu.memory_space<hbm>>) target(%arg8 : memref<64x384xf32, #tpu.memory_space<vmem>>) offsets(%dma_start3A_65 : memref<64xi32, #tpu.memory_space<vmem>>) semaphore(%arg13 : memref<!tpu.dma_semaphore, #tpu.memory_space<semaphore_mem>>)
      %mul3A_69 = arith.constant 5 : i32
      %mul3A_70 = arith.muli %mul3A_69, %scan3A_37 : i32
      %add3A_71 = arith.constant 3 : i32
      %add3A_72 = arith.addi %mul3A_70, %add3A_71 : i32
      %mul3A_73 = arith.constant 64 : i32
      %mul3A_74 = arith.muli %add3A_72, %mul3A_73 : i32
      %dma_start3A_75 = tpu.memref_slice %arg5[%mul3A_74] : memref<6400xi32, #tpu.memory_space<vmem>> -> memref<64xi32, #tpu.memory_space<vmem>>
      %dma_start3A_76 = arith.constant 0 : i32
      %dma_start3A_77 = arith.constant 0 : i32
      %dma_start3A_78 = tpu.memref_slice %arg3[%dma_start3A_76, %dma_start3A_77] : memref<1920x384xf32, #tpu.memory_space<hbm>> -> memref<1920x384xf32, #tpu.memory_space<hbm>>
      tpu.enqueue_indirect_dma source(%dma_start3A_78 : memref<1920x384xf32, #tpu.memory_space<hbm>>) target(%arg9 : memref<64x384xf32, #tpu.memory_space<vmem>>) offsets(%dma_start3A_75 : memref<64xi32, #tpu.memory_space<vmem>>) semaphore(%arg14 : memref<!tpu.dma_semaphore, #tpu.memory_space<semaphore_mem>>)
      %mul3A_79 = arith.constant 5 : i32
      %mul3A_80 = arith.muli %mul3A_79, %scan3A_37 : i32
      %add3A_81 = arith.constant 4 : i32
      %add3A_82 = arith.addi %mul3A_80, %add3A_81 : i32
      %mul3A_83 = arith.constant 64 : i32
      %mul3A_84 = arith.muli %add3A_82, %mul3A_83 : i32
      %dma_start3A_85 = tpu.memref_slice %arg5[%mul3A_84] : memref<6400xi32, #tpu.memory_space<vmem>> -> memref<64xi32, #tpu.memory_space<vmem>>
      %dma_start3A_86 = arith.constant 0 : i32
      %dma_start3A_87 = arith.constant 0 : i32
      %dma_start3A_88 = tpu.memref_slice %arg3[%dma_start3A_86, %dma_start3A_87] : memref<1920x384xf32, #tpu.memory_space<hbm>> -> memref<1920x384xf32, #tpu.memory_space<hbm>>
      tpu.enqueue_indirect_dma source(%dma_start3A_88 : memref<1920x384xf32, #tpu.memory_space<hbm>>) target(%arg10 : memref<64x384xf32, #tpu.memory_space<vmem>>) offsets(%dma_start3A_85 : memref<64xi32, #tpu.memory_space<vmem>>) semaphore(%arg15 : memref<!tpu.dma_semaphore, #tpu.memory_space<semaphore_mem>>)
      %dma_wait3A_89 = tpu.memref_slice %arg5[%mul3A_45] : memref<6400xi32, #tpu.memory_space<vmem>> -> memref<64xi32, #tpu.memory_space<vmem>>
      %dma_wait3A_90 = arith.constant 0 : i32
      %dma_wait3A_91 = arith.constant 0 : i32
      %dma_wait3A_92 = tpu.memref_slice %arg3[%dma_wait3A_90, %dma_wait3A_91] : memref<1920x384xf32, #tpu.memory_space<hbm>> -> memref<1920x384xf32, #tpu.memory_space<hbm>>
      tpu.wait_indirect_dma semaphore(%arg11 : memref<!tpu.dma_semaphore, #tpu.memory_space<semaphore_mem>>) src(%dma_wait3A_92 : memref<1920x384xf32, #tpu.memory_space<hbm>>) dst(%arg6 : memref<64x384xf32, #tpu.memory_space<vmem>>)
      %mul3A_93 = arith.constant 5 : i32
      %mul3A_94 = arith.muli %mul3A_93, %scan3A_37 : i32
      %add3A_95 = arith.constant 0 : i32
      %add3A_96 = arith.addi %mul3A_94, %add3A_95 : i32
      %mul3A_97 = arith.constant 64 : i32
      %mul3A_98 = arith.muli %add3A_96, %mul3A_97 : i32
      %add3A_99 = arith.addi %mul3A_2, %mul3A_98 : i32
      %dma_start3A_100 = arith.constant 0 : i32
      %dma_start3A_101 = tpu.memref_slice %arg4[%add3A_99, %dma_start3A_100] : memref<204800x384xf32, #tpu.memory_space<hbm>> -> memref<64x384xf32, #tpu.memory_space<hbm>>
      %dma_start3A_102 = arith.constant 0 : i32
      %dma_start3A_103 = tpu.memref_slice %arg4[%add3A_99, %dma_start3A_102] : memref<204800x384xf32, #tpu.memory_space<hbm>> -> memref<64x384xf32, #tpu.memory_space<hbm>>
      tpu.enqueue_dma source(%arg6 : memref<64x384xf32, #tpu.memory_space<vmem>>) target(%dma_start3A_103 : memref<64x384xf32, #tpu.memory_space<hbm>>) target_semaphore(%arg16 : memref<!tpu.dma_semaphore, #tpu.memory_space<semaphore_mem>>)
      %dma_wait3A_104 = tpu.memref_slice %arg5[%mul3A_54] : memref<6400xi32, #tpu.memory_space<vmem>> -> memref<64xi32, #tpu.memory_space<vmem>>
      %dma_wait3A_105 = arith.constant 0 : i32
      %dma_wait3A_106 = arith.constant 0 : i32
      %dma_wait3A_107 = tpu.memref_slice %arg3[%dma_wait3A_105, %dma_wait3A_106] : memref<1920x384xf32, #tpu.memory_space<hbm>> -> memref<1920x384xf32, #tpu.memory_space<hbm>>
      tpu.wait_indirect_dma semaphore(%arg12 : memref<!tpu.dma_semaphore, #tpu.memory_space<semaphore_mem>>) src(%dma_wait3A_107 : memref<1920x384xf32, #tpu.memory_space<hbm>>) dst(%arg7 : memref<64x384xf32, #tpu.memory_space<vmem>>)
      %mul3A_108 = arith.constant 5 : i32
      %mul3A_109 = arith.muli %mul3A_108, %scan3A_37 : i32
      %add3A_110 = arith.constant 1 : i32
      %add3A_111 = arith.addi %mul3A_109, %add3A_110 : i32
      %mul3A_112 = arith.constant 64 : i32
      %mul3A_113 = arith.muli %add3A_111, %mul3A_112 : i32
      %add3A_114 = arith.addi %mul3A_2, %mul3A_113 : i32
      %dma_start3A_115 = arith.constant 0 : i32
      %dma_start3A_116 = tpu.memref_slice %arg4[%add3A_114, %dma_start3A_115] : memref<204800x384xf32, #tpu.memory_space<hbm>> -> memref<64x384xf32, #tpu.memory_space<hbm>>
      %dma_start3A_117 = arith.constant 0 : i32
      %dma_start3A_118 = tpu.memref_slice %arg4[%add3A_114, %dma_start3A_117] : memref<204800x384xf32, #tpu.memory_space<hbm>> -> memref<64x384xf32, #tpu.memory_space<hbm>>
      tpu.enqueue_dma source(%arg7 : memref<64x384xf32, #tpu.memory_space<vmem>>) target(%dma_start3A_118 : memref<64x384xf32, #tpu.memory_space<hbm>>) target_semaphore(%arg17 : memref<!tpu.dma_semaphore, #tpu.memory_space<semaphore_mem>>)
      %dma_wait3A_119 = tpu.memref_slice %arg5[%mul3A_64] : memref<6400xi32, #tpu.memory_space<vmem>> -> memref<64xi32, #tpu.memory_space<vmem>>
      %dma_wait3A_120 = arith.constant 0 : i32
      %dma_wait3A_121 = arith.constant 0 : i32
      %dma_wait3A_122 = tpu.memref_slice %arg3[%dma_wait3A_120, %dma_wait3A_121] : memref<1920x384xf32, #tpu.memory_space<hbm>> -> memref<1920x384xf32, #tpu.memory_space<hbm>>
      tpu.wait_indirect_dma semaphore(%arg13 : memref<!tpu.dma_semaphore, #tpu.memory_space<semaphore_mem>>) src(%dma_wait3A_122 : memref<1920x384xf32, #tpu.memory_space<hbm>>) dst(%arg8 : memref<64x384xf32, #tpu.memory_space<vmem>>)
      %mul3A_123 = arith.constant 5 : i32
      %mul3A_124 = arith.muli %mul3A_123, %scan3A_37 : i32
      %add3A_125 = arith.constant 2 : i32
      %add3A_126 = arith.addi %mul3A_124, %add3A_125 : i32
      %mul3A_127 = arith.constant 64 : i32
      %mul3A_128 = arith.muli %add3A_126, %mul3A_127 : i32
      %add3A_129 = arith.addi %mul3A_2, %mul3A_128 : i32
      %dma_start3A_130 = arith.constant 0 : i32
      %dma_start3A_131 = tpu.memref_slice %arg4[%add3A_129, %dma_start3A_130] : memref<204800x384xf32, #tpu.memory_space<hbm>> -> memref<64x384xf32, #tpu.memory_space<hbm>>
      %dma_start3A_132 = arith.constant 0 : i32
      %dma_start3A_133 = tpu.memref_slice %arg4[%add3A_129, %dma_start3A_132] : memref<204800x384xf32, #tpu.memory_space<hbm>> -> memref<64x384xf32, #tpu.memory_space<hbm>>
      tpu.enqueue_dma source(%arg8 : memref<64x384xf32, #tpu.memory_space<vmem>>) target(%dma_start3A_133 : memref<64x384xf32, #tpu.memory_space<hbm>>) target_semaphore(%arg18 : memref<!tpu.dma_semaphore, #tpu.memory_space<semaphore_mem>>)
      %dma_wait3A_134 = tpu.memref_slice %arg5[%mul3A_74] : memref<6400xi32, #tpu.memory_space<vmem>> -> memref<64xi32, #tpu.memory_space<vmem>>
      %dma_wait3A_135 = arith.constant 0 : i32
      %dma_wait3A_136 = arith.constant 0 : i32
      %dma_wait3A_137 = tpu.memref_slice %arg3[%dma_wait3A_135, %dma_wait3A_136] : memref<1920x384xf32, #tpu.memory_space<hbm>> -> memref<1920x384xf32, #tpu.memory_space<hbm>>
      tpu.wait_indirect_dma semaphore(%arg14 : memref<!tpu.dma_semaphore, #tpu.memory_space<semaphore_mem>>) src(%dma_wait3A_137 : memref<1920x384xf32, #tpu.memory_space<hbm>>) dst(%arg9 : memref<64x384xf32, #tpu.memory_space<vmem>>)
      %mul3A_138 = arith.constant 5 : i32
      %mul3A_139 = arith.muli %mul3A_138, %scan3A_37 : i32
      %add3A_140 = arith.constant 3 : i32
      %add3A_141 = arith.addi %mul3A_139, %add3A_140 : i32
      %mul3A_142 = arith.constant 64 : i32
      %mul3A_143 = arith.muli %add3A_141, %mul3A_142 : i32
      %add3A_144 = arith.addi %mul3A_2, %mul3A_143 : i32
      %dma_start3A_145 = arith.constant 0 : i32
      %dma_start3A_146 = tpu.memref_slice %arg4[%add3A_144, %dma_start3A_145] : memref<204800x384xf32, #tpu.memory_space<hbm>> -> memref<64x384xf32, #tpu.memory_space<hbm>>
      %dma_start3A_147 = arith.constant 0 : i32
      %dma_start3A_148 = tpu.memref_slice %arg4[%add3A_144, %dma_start3A_147] : memref<204800x384xf32, #tpu.memory_space<hbm>> -> memref<64x384xf32, #tpu.memory_space<hbm>>
      tpu.enqueue_dma source(%arg9 : memref<64x384xf32, #tpu.memory_space<vmem>>) target(%dma_start3A_148 : memref<64x384xf32, #tpu.memory_space<hbm>>) target_semaphore(%arg19 : memref<!tpu.dma_semaphore, #tpu.memory_space<semaphore_mem>>)
      %dma_wait3A_149 = tpu.memref_slice %arg5[%mul3A_84] : memref<6400xi32, #tpu.memory_space<vmem>> -> memref<64xi32, #tpu.memory_space<vmem>>
      %dma_wait3A_150 = arith.constant 0 : i32
      %dma_wait3A_151 = arith.constant 0 : i32
      %dma_wait3A_152 = tpu.memref_slice %arg3[%dma_wait3A_150, %dma_wait3A_151] : memref<1920x384xf32, #tpu.memory_space<hbm>> -> memref<1920x384xf32, #tpu.memory_space<hbm>>
      tpu.wait_indirect_dma semaphore(%arg15 : memref<!tpu.dma_semaphore, #tpu.memory_space<semaphore_mem>>) src(%dma_wait3A_152 : memref<1920x384xf32, #tpu.memory_space<hbm>>) dst(%arg10 : memref<64x384xf32, #tpu.memory_space<vmem>>)
      %mul3A_153 = arith.constant 5 : i32
      %mul3A_154 = arith.muli %mul3A_153, %scan3A_37 : i32
      %add3A_155 = arith.constant 4 : i32
      %add3A_156 = arith.addi %mul3A_154, %add3A_155 : i32
      %mul3A_157 = arith.constant 64 : i32
      %mul3A_158 = arith.muli %add3A_156, %mul3A_157 : i32
      %add3A_159 = arith.addi %mul3A_2, %mul3A_158 : i32
      %dma_start3A_160 = arith.constant 0 : i32
      %dma_start3A_161 = tpu.memref_slice %arg4[%add3A_159, %dma_start3A_160] : memref<204800x384xf32, #tpu.memory_space<hbm>> -> memref<64x384xf32, #tpu.memory_space<hbm>>
      %dma_start3A_162 = arith.constant 0 : i32
      %dma_start3A_163 = tpu.memref_slice %arg4[%add3A_159, %dma_start3A_162] : memref<204800x384xf32, #tpu.memory_space<hbm>> -> memref<64x384xf32, #tpu.memory_space<hbm>>
      tpu.enqueue_dma source(%arg10 : memref<64x384xf32, #tpu.memory_space<vmem>>) target(%dma_start3A_163 : memref<64x384xf32, #tpu.memory_space<hbm>>) target_semaphore(%arg20 : memref<!tpu.dma_semaphore, #tpu.memory_space<semaphore_mem>>)
    }
    %scan3A_7 = arith.constant 20 : i32
    %dma_wait3A = arith.constant 0 : i32
    %dma_wait3A_8 = arith.constant 0 : i32
    %dma_wait3A_9 = tpu.memref_slice %arg4[%dma_wait3A, %dma_wait3A_8] : memref<204800x384xf32, #tpu.memory_space<hbm>> -> memref<64x384xf32, #tpu.memory_space<hbm>>
    %dma_wait3A_10 = arith.constant 0 : i32
    %dma_wait3A_11 = arith.constant 0 : i32
    %dma_wait3A_12 = tpu.memref_slice %arg4[%dma_wait3A_10, %dma_wait3A_11] : memref<204800x384xf32, #tpu.memory_space<hbm>> -> memref<64x384xf32, #tpu.memory_space<hbm>>
    tpu.wait_dma2 semaphore(%arg16 : memref<!tpu.dma_semaphore, #tpu.memory_space<semaphore_mem>>) src(%arg6 : memref<64x384xf32, #tpu.memory_space<vmem>>) dst(%dma_wait3A_12 : memref<64x384xf32, #tpu.memory_space<hbm>>)
    %dma_wait3A_13 = arith.constant 0 : i32
    %dma_wait3A_14 = arith.constant 0 : i32
    %dma_wait3A_15 = tpu.memref_slice %arg4[%dma_wait3A_13, %dma_wait3A_14] : memref<204800x384xf32, #tpu.memory_space<hbm>> -> memref<64x384xf32, #tpu.memory_space<hbm>>
    %dma_wait3A_16 = arith.constant 0 : i32
    %dma_wait3A_17 = arith.constant 0 : i32
    %dma_wait3A_18 = tpu.memref_slice %arg4[%dma_wait3A_16, %dma_wait3A_17] : memref<204800x384xf32, #tpu.memory_space<hbm>> -> memref<64x384xf32, #tpu.memory_space<hbm>>
    tpu.wait_dma2 semaphore(%arg17 : memref<!tpu.dma_semaphore, #tpu.memory_space<semaphore_mem>>) src(%arg7 : memref<64x384xf32, #tpu.memory_space<vmem>>) dst(%dma_wait3A_18 : memref<64x384xf32, #tpu.memory_space<hbm>>)
    %dma_wait3A_19 = arith.constant 0 : i32
    %dma_wait3A_20 = arith.constant 0 : i32
    %dma_wait3A_21 = tpu.memref_slice %arg4[%dma_wait3A_19, %dma_wait3A_20] : memref<204800x384xf32, #tpu.memory_space<hbm>> -> memref<64x384xf32, #tpu.memory_space<hbm>>
    %dma_wait3A_22 = arith.constant 0 : i32
    %dma_wait3A_23 = arith.constant 0 : i32
    %dma_wait3A_24 = tpu.memref_slice %arg4[%dma_wait3A_22, %dma_wait3A_23] : memref<204800x384xf32, #tpu.memory_space<hbm>> -> memref<64x384xf32, #tpu.memory_space<hbm>>
    tpu.wait_dma2 semaphore(%arg18 : memref<!tpu.dma_semaphore, #tpu.memory_space<semaphore_mem>>) src(%arg8 : memref<64x384xf32, #tpu.memory_space<vmem>>) dst(%dma_wait3A_24 : memref<64x384xf32, #tpu.memory_space<hbm>>)
    %dma_wait3A_25 = arith.constant 0 : i32
    %dma_wait3A_26 = arith.constant 0 : i32
    %dma_wait3A_27 = tpu.memref_slice %arg4[%dma_wait3A_25, %dma_wait3A_26] : memref<204800x384xf32, #tpu.memory_space<hbm>> -> memref<64x384xf32, #tpu.memory_space<hbm>>
    %dma_wait3A_28 = arith.constant 0 : i32
    %dma_wait3A_29 = arith.constant 0 : i32
    %dma_wait3A_30 = tpu.memref_slice %arg4[%dma_wait3A_28, %dma_wait3A_29] : memref<204800x384xf32, #tpu.memory_space<hbm>> -> memref<64x384xf32, #tpu.memory_space<hbm>>
    tpu.wait_dma2 semaphore(%arg19 : memref<!tpu.dma_semaphore, #tpu.memory_space<semaphore_mem>>) src(%arg9 : memref<64x384xf32, #tpu.memory_space<vmem>>) dst(%dma_wait3A_30 : memref<64x384xf32, #tpu.memory_space<hbm>>)
    %dma_wait3A_31 = arith.constant 0 : i32
    %dma_wait3A_32 = arith.constant 0 : i32
    %dma_wait3A_33 = tpu.memref_slice %arg4[%dma_wait3A_31, %dma_wait3A_32] : memref<204800x384xf32, #tpu.memory_space<hbm>> -> memref<64x384xf32, #tpu.memory_space<hbm>>
    %dma_wait3A_34 = arith.constant 0 : i32
    %dma_wait3A_35 = arith.constant 0 : i32
    %dma_wait3A_36 = tpu.memref_slice %arg4[%dma_wait3A_34, %dma_wait3A_35] : memref<204800x384xf32, #tpu.memory_space<hbm>> -> memref<64x384xf32, #tpu.memory_space<hbm>>
    tpu.wait_dma2 semaphore(%arg20 : memref<!tpu.dma_semaphore, #tpu.memory_space<semaphore_mem>>) src(%arg10 : memref<64x384xf32, #tpu.memory_space<vmem>>) dst(%dma_wait3A_36 : memref<64x384xf32, #tpu.memory_space<hbm>>)
    return
  }
}

</mosaic_0001>

<sc_bundles>
// kernel: kernel.3.cloned.1.call-start
scs
__scs_entry_jumppad:
0x0: {  	(pc) =	sbr.rel $0x88, $3  }
0x1: {  	(tag) =	ssettag $0x0;
	lr =	simm.s32 $0x1  }
0x2: {  	[smem:$0x3F9B] =	sst lr;
	_ =	strace $0xD0000000  }
0x3: {  	_ = 	snop  }
0x4: {  	_ = 	snop  }
0x5: {  	_ = 	snop  }
0x6: {  	_ = 	snop  }
0x7: {  	_ = 	snop  }
__scs_overlays_trampoline_lowered:
0x8: {  	[smem:$0x3FAA] =	sst s0  }
0x9: {  	[smem:$0x3FAB] =	sst s1  }
0xa: {  	[smem:$0x3FAC] =	sst s2  }
0xb: {  	[smem:$0x3FAD] =	sst s3  }
0xc: {  	[smem:$0x3FAE] =	sst s4  }
0xd: {  	[smem:$0x3FAF] =	sst s5  }
0xe: {  	[smem:$0x3FB0] =	sst s6  }
0xf: {  	[smem:$0x3FB1] =	sst s7  }
0x10: {  	[smem:$0x3FB2] =	sst s8  }
0x11: {  	[smem:$0x3FB3] =	sst s9;
	s0 =	simm.s32 @!p0 $0x0  }
0x12: {  	s1 =	sld [smem:$0x3F99];
	s0 =	simm.s32 @p0 $0x1  }
0x13: {  	[smem:$0x3FB4] =	sst s0;
	s0 =	simm.s32 @!p1 $0x0  }
0x14: {  	s2 =	sld [smem:$0x3F98];
	s0 =	simm.s32 @p1 $0x1  }
0x15: {  	[smem:$0x3FB5] =	sst s0;
	s0 =	simm.s32 @!p2 $0x0  }
0x16: {  	s3 =	sld [smem:$0x3FDB];
	s0 =	simm.s32 @p2 $0x1  }
0x17: {  	s4 =	simm.s32 $0x1BF5;
	[smem:$0x3FB7] =	sst s0  }
0x18: {  	s0 =	sld [smem:$0x3F9A];
	_ =	swait.ge [sflag:s4], $0x0  }
0x19: {  	s7 =	sld [smem:$0x3F9B]  }
0x1a: {  	s8 =	sadd.s32 $0xFFFFE003, lr  }
0x1b: {  	s9 =	sadd.s32 $0xFFFFFEF7, lr;
	s5 =	simm.s32 $0xFFFFFFFF;
	p2 =	slt.u32 s8, $0xFFFFF086  }
0x1c: {  	p1 =	slt.u32 s9, $0xF7A;
	s5 =	simm.s32 @!p2 $0x0  }
0x1d: {  	s5 =	simm.s32 @p1 $0x1;
	p0 =	seq.s32 s7, s2  }
0x1e: {  	s7 =	smul.u32 @!p0 $0xF7A, s2;
	p2 =	seq.s32 @!p0 s5, $0x0  }
0x1f: {  	s9 =	smul.u32 $0xF7A, s1;
	s8 =	simm.s32 @!p0 $0x1BF5;
	p2 =	por !p2, p0  }
0x20: {  	[sflag:s8] =	ssyncset.s32 @!p0 $0xFFFFF086;
	s6 =	sadd.s32 @!p0 s3, s7;
	s7 =	simm.s32 @!p0 $0x108  }
0x21: {  	s3 =	sadd.s32 s3, s9;
	s6 =	sadd.s32 @!p0 $0x88, s6;
	s7 =	simm.s32 @p2 $0x1082  }
0x22: {  	[simem:s7], [sflag:s8] =	dma.local @!p0 [hbm:s6], $0xF7A  }
0x23: {  	s9 =	sor.u32 $0xD0000000, s2;
	s6 =	simm.s32 $0x108;
	_ =	swait.ge @!p0 [sflag:s8], $0x0  }
0x24: {  	s3 =	sadd.s32 $0x88, s3;
	s6 =	simm.s32 @!p1 $0x1082;
	[sflag:s4] =	ssyncset.s32 $0xFFFFF086  }
0x25: {  	[simem:s6], [sflag:s4] =	dma.local [hbm:s3], $0xF7A  }
0x26: {  	[smem:$0x3F9B] =	sst s1;
	(tag) =	ssettag s2;
	_ =	strace s9  }
0x27: {  	s1 =	sld [smem:$0x3FAB]  }
0x28: {  	s2 =	sld [smem:$0x3FAC]  }
0x29: {  	s4 =	sld [smem:$0x3FAE]  }
0x2a: {  	p0 =	seq.s32 s5, $0x0;
	s5 =	sld [smem:$0x3FAF]  }
0x2b: {  	s6 =	sld [smem:$0x3FB0]  }
0x2c: {  	s7 =	sld [smem:$0x3FB1]  }
0x2d: {  	s3 =	simm.s32 $0x108;
	s8 =	sld [smem:$0x3FB2]  }
0x2e: {  	s3 =	simm.s32 @!p0 $0x1082;
	s9 =	sld [smem:$0x3FB3]  }
0x2f: {  	lr =	sadd.s32 s0, s3;
	s0 =	sld [smem:$0x3FAA]  }
0x30: {  	s3 =	sld [smem:$0x3FAD]  }
0x31: {  	[smem:$0x3FB6] =	sst s10  }
0x32: {  	s10 =	sld [smem:$0x3FB4];
	_ =	sdelay $0x3  }
0x33: {  	p0 =	seq.s32 s10, $0x1;
	s10 =	sld [smem:$0x3FB6];
	_ =	sdelay $0x3  }
0x34: {  	[smem:$0x3FB6] =	sst s10  }
0x35: {  	s10 =	sld [smem:$0x3FB5];
	_ =	sdelay $0x3  }
0x36: {  	p1 =	seq.s32 s10, $0x1;
	s10 =	sld [smem:$0x3FB6];
	_ =	sdelay $0x3  }
0x37: {  	[smem:$0x3FB6] =	sst s10  }
0x38: {  	s10 =	sld [smem:$0x3FB7]  }
0x39: {  	_ = 	snop;
	(pc) =	sbr.ind lr, $3  }
0x3a: {  	_ = 	snop  }
0x3b: {  	_ = 	snop  }
0x3c: {  	p2 =	seq.s32 s10, $0x1;
	s10 =	sld [smem:$0x3FB6]  }
0x3d: {  	_ =	shalt  }
0x3e: {  	_ =	shalt  }
0x3f: {  	_ =	shalt  }
0x40: {  	_ =	shalt  }
0x41: {  	_ =	shalt  }
0x42: {  	_ =	shalt  }
0x43: {  	_ =	shalt  }
0x44: {  	_ =	shalt  }
0x45: {  	_ =	shalt  }
0x46: {  	_ =	shalt  }
0x47: {  	_ =	shalt  }
0x48: {  	_ =	shalt  }
0x49: {  	_ =	shalt  }
0x4a: {  	_ =	shalt  }
0x4b: {  	_ =	shalt  }
0x4c: {  	_ =	shalt  }
0x4d: {  	_ =	shalt  }
0x4e: {  	_ =	shalt  }
0x4f: {  	_ =	shalt  }
0x50: {  	_ =	shalt  }
0x51: {  	_ =	shalt  }
0x52: {  	_ =	shalt  }
0x53: {  	_ =	shalt  }
0x54: {  	_ =	shalt  }
0x55: {  	_ =	shalt  }
0x56: {  	_ =	shalt  }
0x57: {  	_ =	shalt  }
0x58: {  	_ =	shalt  }
0x59: {  	_ =	shalt  }
0x5a: {  	_ =	shalt  }
0x5b: {  	_ =	shalt  }
0x5c: {  	_ =	shalt  }
0x5d: {  	_ =	shalt  }
0x5e: {  	_ =	shalt  }
0x5f: {  	_ =	shalt  }
0x60: {  	_ =	shalt  }
0x61: {  	_ =	shalt  }
0x62: {  	_ =	shalt  }
0x63: {  	_ =	shalt  }
0x64: {  	_ =	shalt  }
0x65: {  	_ =	shalt  }
0x66: {  	_ =	shalt  }
0x67: {  	_ =	shalt  }
0x68: {  	_ =	shalt  }
0x69: {  	_ =	shalt  }
0x6a: {  	_ =	shalt  }
0x6b: {  	_ =	shalt  }
0x6c: {  	_ =	shalt  }
0x6d: {  	_ =	shalt  }
0x6e: {  	_ =	shalt  }
0x6f: {  	_ =	shalt  }
0x70: {  	_ =	shalt  }
0x71: {  	_ =	shalt  }
0x72: {  	_ =	shalt  }
0x73: {  	_ =	shalt  }
0x74: {  	_ =	shalt  }
0x75: {  	_ =	shalt  }
0x76: {  	_ =	shalt  }
0x77: {  	_ =	shalt  }
0x78: {  	_ =	shalt  }
0x79: {  	_ =	shalt  }
0x7a: {  	_ =	shalt  }
0x7b: {  	_ =	shalt  }
0x7c: {  	_ =	shalt  }
0x7d: {  	_ =	shalt  }
0x7e: {  	_ =	shalt  }
0x7f: {  	_ =	shalt  }
0x80: {  	_ =	shalt  }
0x81: {  	_ =	shalt  }
0x82: {  	_ =	shalt  }
0x83: {  	_ =	shalt  }
0x84: {  	_ =	shalt  }
0x85: {  	_ =	shalt  }
0x86: {  	_ =	shalt  }
0x87: {  	_ =	shalt  }
.Lfunc_end0:
.L_simem_size_0:
called_computation_lowered:
.L_overlay_start_0:
0x88: {  	s2 =	sld [smem:$0x3FD9]  }
0x89: {  	s3 =	sld [smem:$0x3FFE];
	_ =	sdelay $0x1  }
0x8a: {  	s1 =	srdreg.scid  }
0x8b: {  	s0 =	sand.u32 $0x1, s1  }
0x8c: {  	s17 =	sshll.u32 s0, $0xA;
	s2 =	sadd.s32 s3, s2  }
0x8d: {  	s2 =	sadd.s32 s2, s17  }
0x8e: {  	[smem:$0x3FC2] =	sst s2  }
0x8f: {  	_ = 	snop  }
0x90: {  	s2 =	sld [smem:$0x3FD0];
	(tm) =	ssettm $0x1  }
0x91: {  	s18 =	sld [smem:$0x3FFB];
	_ =	sdelay $0x3  }
0x92: {  	_ =	strace s18  }
0x93: {  	s3 =	sld [smem:$0x3FFC];
	_ =	sdelay $0x3  }
0x94: {  	_ =	strace s3  }
0x95: {  	s3 =	sld [smem:$0x3FFD];
	_ =	sdelay $0x3  }
0x96: {  	_ =	strace s3  }
0x97: {  	_ =	strace $0x8FFFFFFF  }
0x98: {  	s19 =	sld [smem:$0x3FDB];
	_ =	sdelay $0x1  }
0x99: {  	s4 =	simm.s32 $_scs_section_size  }
0x9a: {  	s5 =	simm.s32 $_size__tile_overlayer_lowered;
	s6 =	simm.s32 $_tile_overlayer_lowered  }
0x9b: {  	s22 =	simm.s32 $0x1BFF;
	s21 =	sshll.u32 s6, $0x1;
	s3 =	sadd.s32 s4, s19  }
0x9c: {  	s7 =	simm.s32 $0x0;
	s20 =	sshll.u32 s5, $0x1;
	s5 =	sadd.s32 s21, s3  }
0x9d: {  	[timem:s7], [sflag:s22] =	dma.local [hbm:s5], s20  }
0x9e: {  	_ =	swait.ge [sflag:s22], s20  }
0x9f: {  	s4 =	ssub.s32 $0x0, s20;
	[sflag:s22] =	ssyncset.done $0x0  }
0xa0: {  	[sflag:s22] =	ssyncadd.s32 s4;
	_ =	sdelay $0x1  }
0xa1: {  	s23 =	simm.s32 $0x1B8B  }
0xa2: {  	_ =	swait.ge [sflag:s23], $0x1  }
0xa3: {  	[sflag:s23] =	ssyncset.done $0x0  }
0xa4: {  	s25 =	simm.s32 $0x1B8E;
	s24 =	sld [smem:$0x3FFE];
	[sflag:s23] =	ssyncadd.s32 $0xFFFFFFFF  }
0xa5: {  	s26 =	simm.s32 $execute0_lowered;
	[smem:$0x3FD2] =	sst s25  }
0xa6: {  	s5 =	sshll.u32 s26, $0x1;
	_ =	strace $0x80000046;
	[dreg:$0x1] =	wrdreg $0xFFFFFFFF  }
0xa7: {  	s28 =	simm.s32 $_size_execute0_lowered;
	s3 =	sadd.s32 s3, s5;
	[dreg:$0x0] =	wrdreg $0x0  }
0xa8: {  	s5 =	sshll.u32 s28, $0x1;
	[dreg:$0x2] =	wrdreg s3  }
0xa9: {  	[dreg:$0x3] =	wrdreg s5  }
0xaa: {  	[dreg:$0x4] =	wrdreg $0xC0  }
0xab: {  	_ =	task [dreg:s7], $0x5FFFF  }
0xac: {  	[dreg:$0x1] =	wrdreg $0xFFFFFFFF  }
0xad: {  	[dreg:$0x0] =	wrdreg $0x60  }
0xae: {  	[dreg:$0x2] =	wrdreg s24  }
0xaf: {  	[dreg:$0x3] =	wrdreg s2  }
0xb0: {  	[dreg:$0x4] =	wrdreg $0x9  }
0xb1: {  	_ =	task.clear_ibuf [dreg:s7], $0x5FFFF;
	_ =	strace $0x90000046  }
0xb2: {  	s29 =	simm.s32 $0x9;
	_ =	strace $0x80000048  }
0xb3: {  	_ =	swait.ge [sflag:s29], $0x1  }
0xb4: {  	[sflag:s29] =	ssyncadd.s32 $0xFFFFFFFF  }
0xb5: {  	_ =	strace $0x90000048  }
0xb6: {  	_ =	sfence  }
0xb7: {  	s30 =	sld [smem:$0x0];
	_ =	sdelay $0x2  }
0xb8: {  	s31 =	sshll.u32 s1, $0xD;
	s1 =	sshrl.u32 s1, $0x2  }
0xb9: {  	s3 =	sand.u32 $0x4000, s31;
	s1 =	sadd.s32 s1, s30  }
0xba: {  	s0 =	sor.u32 s3, s0;
	s1 =	sshll.u32 s1, $0x11  }
0xbb: {  	s0 =	sor.u32 s1, s0  }
0xbc: {  	s0 =	sadd.s32 $0x8F2B, s0  }
0xbd: {  	[sflag:s0] =	ssyncadd.remote.s32 $0x1  }
0xbe: {  	_ =	sfence.sel $0xFFFF  }
0xbf: {  	[dreg:$0x0] =	wrdreg $0xFFFFFFFF;
	(pc) =	sbr.abs _section_cstart, $3  }
0xc0: {  	[dreg:$0x1] =	wrdreg $0xFFFFFFFF  }
0xc1: {  	_ =	task.clear_ibuf [dreg:s7], $0x2FFFF;
	_ =	strace $0x9FFFFFFF  }
0xc2: {  	(tm) =	ssettm $0x7FFFFFFF  }
0xc3: {  	_ =	shalt  }
tec
execute0_lowered:
.L_overlay_start_1:
0x0: {  	(tag) =	ssettag $0x1  }
0x1: {  	s1 =	srdreg.scid;
	s0 =	stileid.u32  }
0x2: {  	s4 =	sand.u32 $0x1, s1;
	s2 =	smul.u32 $0x3200, s0  }
0x3: {  	s3 =	smul.u32 $0x1900, s4  }
0x4: {  	s5 =	rddreg [dreg:$0x1]  }
0x5: {  	s1 =	rddreg [dreg:$0x0];
	s3 =	sadd.s32 s3, s2;
	s2 =	simm.s32 $0x0  }
0x6: {  	s25 =	simm.s32 $0x2100;
	[smem:$0x7FF] =	sst s2  }
0x7: {  	s26 =	simm.s32 $0x2500;
	_ =	strace $0x80000047;
	[dreg:$0x8] =	wrdreg s25  }
0x8: {  	s31 =	simm.s32 $0x2D00;
	[dreg:$0x9] =	wrdreg s26  }
0x9: {  	s9 =	simm.s32 $0x4900;
	[dreg:$0xa] =	wrdreg s31  }
0xa: {  	s10 =	simm.s32 $0x5100;
	[dreg:$0xf] =	wrdreg s9  }
0xb: {  	s11 =	simm.s32 $0x5500;
	[dreg:$0x10] =	wrdreg s10  }
0xc: {  	s12 =	simm.s32 $0x5D00;
	[dreg:$0x11] =	wrdreg s11  }
0xd: {  	s13 =	simm.s32 $0x6100;
	[dreg:$0x12] =	wrdreg s12  }
0xe: {  	s14 =	simm.s32 $0x6900;
	[dreg:$0x13] =	wrdreg s13  }
0xf: {  	s15 =	simm.s32 $0x6D00;
	[dreg:$0x14] =	wrdreg s14  }
0x10: {  	s16 =	simm.s32 $0x7500;
	[dreg:$0x15] =	wrdreg s15  }
0x11: {  	s17 =	simm.s32 $0x8100;
	[dreg:$0x16] =	wrdreg s16  }
0x12: {  	s18 =	simm.s32 $0x8500;
	s19 =	simm.s32 $0x8D00;
	[dreg:$0x17] =	wrdreg s17  }
0x13: {  	s20 =	simm.s32 $0x9100;
	s7 =	sor.u32 $0x40, s3;
	[dreg:$0x18] =	wrdreg s18  }
0x14: {  	s22 =	sor.u32 $0x80, s3;
	s21 =	sshrl.u32 s7, $0x3;
	[dreg:$0x19] =	wrdreg s19  }
0x15: {  	s7 =	sshrl.u32 s22, $0x3;
	[dreg:$0x1a] =	wrdreg s20;
	s22 =	simm.s32 $0x9D00  }
0x16: {  	s25 =	simm.s32 $0xB100;
	[dreg:$0x1c] =	wrdreg s22  }
0x17: {  	s26 =	simm.s32 $0xB500;
	[dreg:$0x1f] =	wrdreg s25  }
0x18: {  	s31 =	simm.s32 $0xBD00;
	[smem:$0x7D0] =	sst s26  }
0x19: {  	s9 =	simm.s32 $0xE100;
	[smem:$0x7D1] =	sst s31  }
0x1a: {  	s10 =	simm.s32 $0xE500;
	[smem:$0x7D6] =	sst s9  }
0x1b: {  	s11 =	simm.s32 $0xED00;
	[smem:$0x7D7] =	sst s10  }
0x1c: {  	s12 =	simm.s32 $0xF100;
	[smem:$0x7D8] =	sst s11  }
0x1d: {  	s13 =	simm.s32 $0xF900;
	[smem:$0x7D9] =	sst s12  }
0x1e: {  	s14 =	simm.s32 $0xFD00;
	[smem:$0x7DA] =	sst s13  }
0x1f: {  	s15 =	simm.s32 $0x10500;
	[smem:$0x7DB] =	sst s14  }
0x20: {  	s16 =	simm.s32 $0x10900;
	[smem:$0x7DC] =	sst s15  }
0x21: {  	s17 =	simm.s32 $0x11100;
	[smem:$0x7DD] =	sst s16  }
0x22: {  	s18 =	simm.s32 $0x11500;
	[smem:$0x7DE] =	sst s17  }
0x23: {  	s19 =	simm.s32 $0x11D00;
	[smem:$0x7DF] =	sst s18  }
0x24: {  	s20 =	simm.s32 $0x12100;
	[smem:$0x7E0] =	sst s19  }
0x25: {  	[smem:$0x7E1] =	sst s20;
	s22 =	simm.s32 $0x12D00  }
0x26: {  	s25 =	simm.s32 $0x14500;
	[smem:$0x7E3] =	sst s22  }
0x27: {  	s26 =	simm.s32 $0x14D00;
	[smem:$0x7E6] =	sst s25  }
0x28: {  	s31 =	simm.s32 $0x15100;
	[smem:$0x7E7] =	sst s26  }
0x29: {  	s9 =	simm.s32 $0x16900;
	[smem:$0x7E8] =	sst s31  }
0x2a: {  	s10 =	simm.s32 $0x17100;
	[smem:$0x7EC] =	sst s9  }
0x2b: {  	s11 =	simm.s32 $0x17500;
	[smem:$0x7ED] =	sst s10  }
0x2c: {  	s12 =	simm.s32 $0x17D00;
	[smem:$0x7EE] =	sst s11  }
0x2d: {  	s13 =	simm.s32 $0x18100;
	[smem:$0x7EF] =	sst s12  }
0x2e: {  	s14 =	simm.s32 $0x18900;
	[smem:$0x7F0] =	sst s13  }
0x2f: {  	s16 =	simm.s32 $0x18D00;
	[smem:$0x7F1] =	sst s14  }
0x30: {  	s6 =	sshrl.u32 s3, $0x3;
	s17 =	simm.s32 $0x19500;
	[smem:$0x7F2] =	sst s16  }
0x31: {  	s6 =	smul.u32 $0x180, s6;
	s19 =	simm.s32 $0x1A100;
	[smem:$0x7F4] =	sst s17  }
0x32: {  	s8 =	sadd.s32 $0x100, s3;
	s20 =	simm.s32 $0x1A500;
	[smem:$0x7F5] =	sst s19  }
0x33: {  	s3 =	sor.u32 $0xC0, s3;
	s6 =	sadd.s32 s6, s5;
	[smem:$0x7F6] =	sst s20  }
0x34: {  	s8 =	sshrl.u32 s8, $0x3;
	s22 =	simm.s32 $0x1B100;
	[dreg:$0x3] =	wrdreg s6  }
0x35: {  	s3 =	sshrl.u32 s3, $0x3;
	s25 =	simm.s32 $0x1C500;
	[smem:$0x7F8] =	sst s22  }
0x36: {  	s7 =	smul.u32 $0x180, s7;
	s26 =	simm.s32 $0x1C900;
	[smem:$0x7FB] =	sst s25  }
0x37: {  	s8 =	smul.u32 $0x180, s8;
	s31 =	simm.s32 $0x1D100;
	[smem:$0x7FC] =	sst s26  }
0x38: {  	s3 =	smul.u32 $0x180, s3;
	s23 =	sadd.s32 s7, s5;
	[smem:$0x7FD] =	sst s31  }
0x39: {  	s28 =	simm.s32 $0x9;
	s24 =	sadd.s32 s8, s5;
	[dreg:$0x5] =	wrdreg s23  }
0x3a: {  	s29 =	simm.s32 $0xA;
	s3 =	sadd.s32 s3, s5;
	[dreg:$0x6] =	wrdreg s24  }
0x3b: {  	s30 =	simm.s32 $0x0;
	s7 =	simm.s32 $0x3D00;
	[dreg:$0x7] =	wrdreg s3  }
0x3c: {  	s9 =	simm.s32 $0x7900;
	s8 =	simm.s32 $0x4500;
	[dreg:$0xd] =	wrdreg s7  }
0x3d: {  	s6 =	smul.u32 $0x180, s21;
	s21 =	simm.s32 $0x9900;
	[dreg:$0xe] =	wrdreg s8  }
0x3e: {  	s10 =	simm.s32 $0xD900;
	[dreg:$0x1b] =	wrdreg s21;
	s23 =	simm.s32 $0xA500  }
0x3f: {  	s11 =	simm.s32 $0x13900;
	s24 =	simm.s32 $0xA900;
	[dreg:$0x1d] =	wrdreg s23  }
0x40: {  	s12 =	simm.s32 $0x19900;
	s7 =	simm.s32 $0xCD00;
	[dreg:$0x1e] =	wrdreg s24  }
0x41: {  	s13 =	simm.s32 $0x1D500;
	s8 =	simm.s32 $0xD500;
	[smem:$0x7D4] =	sst s7  }
0x42: {  	s14 =	simm.s32 $0x1DD00;
	s21 =	simm.s32 $0x12900;
	[smem:$0x7D5] =	sst s8  }
0x43: {  	s16 =	simm.s32 $0x1E900;
	s6 =	sadd.s32 s6, s5;
	[smem:$0x7E2] =	sst s21  }
0x44: {  	s17 =	simm.s32 $0x1ED00;
	s5 =	simm.s32 $0x3100;
	[dreg:$0x4] =	wrdreg s6  }
0x45: {  	s19 =	simm.s32 $0x1;
	s23 =	simm.s32 $0x13500;
	[dreg:$0xb] =	wrdreg s5  }
0x46: {  	s20 =	simm.s32 $0x2;
	s24 =	simm.s32 $0x14100;
	[smem:$0x7E4] =	sst s23  }
0x47: {  	s22 =	simm.s32 $0x4;
	s7 =	simm.s32 $0x15D00;
	[smem:$0x7E5] =	sst s24  }
0x48: {  	s25 =	simm.s32 $0x7;
	s8 =	simm.s32 $0x16500;
	[smem:$0x7EA] =	sst s7  }
0x49: {  	s26 =	simm.s32 $0x8;
	s21 =	simm.s32 $0x1AD00;
	[smem:$0x7EB] =	sst s8  }
0x4a: {  	s3 =	sadd.s32 $0x6E00, s1;
	s6 =	simm.s32 $0x3900;
	[smem:$0x7F7] =	sst s21  }
0x4b: {  	s5 =	simm.s32 $0xC100;
	s8 =	simm.s32 $0x1900;
	[dreg:$0xc] =	wrdreg s6  }
0x4c: {  	s23 =	simm.s32 $0x1B900;
	[smem:$0x7D2] =	sst s5;
	s6 =	simm.s32 $0xC900  }
0x4d: {  	s5 =	simm.s32 $0x15900;
	[smem:$0x7D3] =	sst s6;
	s6 =	sshll.u32 s0, $0x1  }
0x4e: {  	s24 =	simm.s32 $0x1BD00;
	[smem:$0x7E9] =	sst s5;
	s5 =	sor.u32 s4, s6  }
0x4f: {  	s21 =	simm.s32 $0x3;
	[smem:$0x7F9] =	sst s23;
	s5 =	smul.u32 $0x1900, s5  }
0x50: {  	[smem:$0x7FA] =	sst s24;
	s23 =	simm.s32 $0x5;
	s4 =	ssub.s32 $0x2, s4  }
0x51: {  	s24 =	simm.s32 $0x6;
	s15 =	sshrl.u32 s4, $0x1;
	s5 =	sshrl.u32 s5, $0x3  }
0x52: {  	v2 =	vlaneseq.u32;
	s7 =	ssub.s32 s4, s15;
	s15 =	simm.s32 $0x1E100;
	s5 =	sadd.s32 s5, s1  }
0x53: {  	vm0 =	vmmov $0xffff;
	vm1 =	vmmov $0xff;
	v1 =	vshrl.u32 v2, $0x3;
	s6 =	smax.u32 s7, $0x1;
	s7 =	simm.s32 $0xB;
	s18 =	sadd.s32 $0xA00, s5  }
0x54: {  	v0 =	vand.u32 $0x7, v2;
	v2 =	vor.u32 $0x8, v2;
	v1 =	vmul.u32 $0x8, v1;
	s5 =	sadd.s32 $0x6F00, s1;
	[smem:$0x7F3] =	sst s18;
	s18 =	simm.s32 $0x1F500  }
.LBB2_1:
0x55: {  	s0 =	sld [smem:$0x7F3];
	_ =	sdelay $0x2  }
0x56: {  	[tilespmem:s2], [sflag:$0xB] =	stream.linear.gather [hbm4b:s0+s2], $0x1900, $0x38;
	[tilespmem:$0x1F900] =	vst v63  }
0x57: {  	_ =	swait.ge [sflag:s7], $0x1900  }
0x58: {  	[sflag:s7] =	ssyncset.done $0x0  }
0x59: {  	s31 =	simm.s32 $0xA0;
	s1 =	simm.s32 $0x0;
	[sflag:s7] =	ssyncadd.s32 $0xFFFFE700  }
.LBB2_2:
0x5a: {  	p0 =	seq.s32 s1, $0x0  }
0x5b: {  	s0 =	simm.s32 @!p0 $0x6  }
0x5c: {  	_ =	swait.ge @!p0 [sflag:s0], $0x6000  }
0x5d: {  	[sflag:s0] =	ssyncset.done @!p0 $0x0  }
0x5e: {  	[sflag:s0] =	ssyncadd.s32 @!p0 $0xFFFFA000;
	s0 =	simm.s32 @!p0 $0x7  }
0x5f: {  	_ =	swait.ge @!p0 [sflag:s0], $0x6000  }
0x60: {  	[sflag:s0] =	ssyncset.done @!p0 $0x0  }
0x61: {  	[sflag:s0] =	ssyncadd.s32 @!p0 $0xFFFFA000;
	s0 =	simm.s32 @!p0 $0x8  }
0x62: {  	_ =	swait.ge @!p0 [sflag:s0], $0x6000  }
0x63: {  	[sflag:s0] =	ssyncset.done @!p0 $0x0  }
0x64: {  	[sflag:s0] =	ssyncadd.s32 @!p0 $0xFFFFA000;
	s0 =	simm.s32 @!p0 $0x9  }
0x65: {  	_ =	swait.ge @!p0 [sflag:s0], $0x6000  }
0x66: {  	[sflag:s0] =	ssyncset.done @!p0 $0x0  }
0x67: {  	[sflag:s0] =	ssyncadd.s32 @!p0 $0xFFFFA000;
	s0 =	simm.s32 @!p0 $0xA  }
0x68: {  	_ =	swait.ge @!p0 [sflag:s0], $0x6000  }
0x69: {  	[sflag:s0] =	ssyncset.done @!p0 $0x0  }
0x6a: {  	[sflag:s0] =	ssyncadd.s32 @!p0 $0xFFFFA000  }
0x6b: {  	v3 =	vld [tilespmem:s31+$0xFFFFFF60];
	_ =	sdelay $0x4  }
0x6c: {  	v4 =	vshrl.u32 v3, $0x3  }
0x6d: {  	v4 =	vmul.u32 $0x18, v4  }
0x6e: {  	v3 =	vand.u32 $0x7, v3  }
0x6f: {  	v3 =	vor.u32 v3, v4  }
0x70: {  	v4 =	vperm.xlane v3, v0;
	_ =	sdelay $0x1  }
0x71: {  	v4 =	vadd.s32 v1, v4;
	_ =	sdelay $0x1  }
0x72: {  	v3 =	vperm.xlane v3, v2;
	_ =	sdelay $0x1  }
0x73: {  	v3 =	vadd.s32 v1, v3  }
0x74: {  	[tilespmem:s8], [sflag:$0x1] =	stream.indirect_vreg.gather [hbm4b:s3+s2], $0x80, v4, vm0, $0xb8;
	[tilespmem:$0x1F900] =	vst v63  }
0x75: {  	s0 =	rddreg [dreg:$0x8]  }
0x76: {  	[tilespmem:s0], [sflag:$0x1] =	stream.indirect_vreg.gather [hbm4b:s5+s2], $0x80, v4, vm1, $0xb8;
	[tilespmem:$0x1F900] =	vst v63  }
0x77: {  	s4 =	rddreg [dreg:$0x9]  }
0x78: {  	[tilespmem:s4], [sflag:$0x1] =	stream.indirect_vreg.gather [hbm4b:s3+s2], $0x80, v3, vm0, $0xb8;
	[tilespmem:$0x1F900] =	vst v63  }
0x79: {  	s0 =	rddreg [dreg:$0xa]  }
0x7a: {  	[tilespmem:s0], [sflag:$0x1] =	stream.indirect_vreg.gather [hbm4b:s5+s2], $0x80, v3, vm1, $0xb8;
	[tilespmem:$0x1F900] =	vst v63  }
0x7b: {  	v3 =	vld [tilespmem:s31+$0xFFFFFF70];
	_ =	sdelay $0x4  }
0x7c: {  	v45 =	vshrl.u32 v3, $0x3  }
0x7d: {  	v4 =	vmul.u32 $0x18, v45  }
0x7e: {  	v3 =	vand.u32 $0x7, v3  }
0x7f: {  	v3 =	vor.u32 v3, v4  }
0x80: {  	v4 =	vperm.xlane v3, v0;
	_ =	sdelay $0x1  }
0x81: {  	v4 =	vadd.s32 v1, v4;
	_ =	sdelay $0x1  }
0x82: {  	v3 =	vperm.xlane v3, v2;
	_ =	sdelay $0x1  }
0x83: {  	s0 =	rddreg [dreg:$0xb];
	v3 =	vadd.s32 v1, v3  }
0x84: {  	[tilespmem:s0], [sflag:$0x1] =	stream.indirect_vreg.gather [hbm4b:s3+s2], $0x80, v4, vm0, $0xb8;
	[tilespmem:$0x1F900] =	vst v63  }
0x85: {  	s4 =	rddreg [dreg:$0xc]  }
0x86: {  	[tilespmem:s4], [sflag:$0x1] =	stream.indirect_vreg.gather [hbm4b:s5+s2], $0x80, v4, vm1, $0xb8;
	[tilespmem:$0x1F900] =	vst v63  }
0x87: {  	s0 =	rddreg [dreg:$0xd]  }
0x88: {  	[tilespmem:s0], [sflag:$0x1] =	stream.indirect_vreg.gather [hbm4b:s3+s2], $0x80, v3, vm0, $0xb8;
	[tilespmem:$0x1F900] =	vst v63  }
0x89: {  	s4 =	rddreg [dreg:$0xe]  }
0x8a: {  	[tilespmem:s4], [sflag:$0x1] =	stream.indirect_vreg.gather [hbm4b:s5+s2], $0x80, v3, vm1, $0xb8;
	[tilespmem:$0x1F900] =	vst v63  }
0x8b: {  	v3 =	vld [tilespmem:s31+$0xFFFFFF80];
	_ =	sdelay $0x4  }
0x8c: {  	v46 =	vshrl.u32 v3, $0x3  }
0x8d: {  	v4 =	vmul.u32 $0x18, v46  }
0x8e: {  	v3 =	vand.u32 $0x7, v3  }
0x8f: {  	v3 =	vor.u32 v3, v4  }
0x90: {  	v4 =	vperm.xlane v3, v0;
	_ =	sdelay $0x1  }
0x91: {  	v4 =	vadd.s32 v1, v4;
	_ =	sdelay $0x1  }
0x92: {  	v3 =	vperm.xlane v3, v2;
	_ =	sdelay $0x1  }
0x93: {  	s0 =	rddreg [dreg:$0xf];
	v3 =	vadd.s32 v1, v3  }
0x94: {  	[tilespmem:s0], [sflag:$0x1] =	stream.indirect_vreg.gather [hbm4b:s3+s2], $0x80, v4, vm0, $0xb8;
	[tilespmem:$0x1F900] =	vst v63  }
0x95: {  	s4 =	rddreg [dreg:$0x10]  }
0x96: {  	[tilespmem:s4], [sflag:$0x1] =	stream.indirect_vreg.gather [hbm4b:s5+s2], $0x80, v4, vm1, $0xb8;
	[tilespmem:$0x1F900] =	vst v63  }
0x97: {  	s0 =	rddreg [dreg:$0x11]  }
0x98: {  	[tilespmem:s0], [sflag:$0x1] =	stream.indirect_vreg.gather [hbm4b:s3+s2], $0x80, v3, vm0, $0xb8;
	[tilespmem:$0x1F900] =	vst v63  }
0x99: {  	s4 =	rddreg [dreg:$0x12]  }
0x9a: {  	[tilespmem:s4], [sflag:$0x1] =	stream.indirect_vreg.gather [hbm4b:s5+s2], $0x80, v3, vm1, $0xb8;
	[tilespmem:$0x1F900] =	vst v63  }
0x9b: {  	v3 =	vld [tilespmem:s31+$0xFFFFFF90];
	_ =	sdelay $0x4  }
0x9c: {  	v47 =	vshrl.u32 v3, $0x3  }
0x9d: {  	v4 =	vmul.u32 $0x18, v47  }
0x9e: {  	v3 =	vand.u32 $0x7, v3  }
0x9f: {  	v3 =	vor.u32 v3, v4  }
0xa0: {  	v4 =	vperm.xlane v3, v0;
	_ =	sdelay $0x1  }
0xa1: {  	v4 =	vadd.s32 v1, v4;
	_ =	sdelay $0x1  }
0xa2: {  	v3 =	vperm.xlane v3, v2;
	_ =	sdelay $0x1  }
0xa3: {  	s0 =	rddreg [dreg:$0x13];
	v3 =	vadd.s32 v1, v3  }
0xa4: {  	[tilespmem:s0], [sflag:$0x1] =	stream.indirect_vreg.gather [hbm4b:s3+s2], $0x80, v4, vm0, $0xb8;
	[tilespmem:$0x1F900] =	vst v63  }
0xa5: {  	s4 =	rddreg [dreg:$0x14]  }
0xa6: {  	[tilespmem:s4], [sflag:$0x1] =	stream.indirect_vreg.gather [hbm4b:s5+s2], $0x80, v4, vm1, $0xb8;
	[tilespmem:$0x1F900] =	vst v63  }
0xa7: {  	s0 =	rddreg [dreg:$0x15]  }
0xa8: {  	[tilespmem:s0], [sflag:$0x1] =	stream.indirect_vreg.gather [hbm4b:s3+s2], $0x80, v3, vm0, $0xb8;
	[tilespmem:$0x1F900] =	vst v63  }
0xa9: {  	s4 =	rddreg [dreg:$0x16]  }
0xaa: {  	[tilespmem:s4], [sflag:$0x1] =	stream.indirect_vreg.gather [hbm4b:s5+s2], $0x80, v3, vm1, $0xb8;
	[tilespmem:$0x1F900] =	vst v63  }
0xab: {  	v3 =	vld [tilespmem:s31+$0xFFFFFFA0];
	_ =	sdelay $0x4  }
0xac: {  	v48 =	vshrl.u32 v3, $0x3  }
0xad: {  	v4 =	vmul.u32 $0x18, v48  }
0xae: {  	v3 =	vand.u32 $0x7, v3  }
0xaf: {  	v3 =	vor.u32 v3, v4  }
0xb0: {  	v4 =	vperm.xlane v3, v0;
	_ =	sdelay $0x1  }
0xb1: {  	v4 =	vadd.s32 v1, v4;
	_ =	sdelay $0x1  }
0xb2: {  	v3 =	vperm.xlane v3, v2;
	_ =	sdelay $0x1  }
0xb3: {  	v3 =	vadd.s32 v1, v3  }
0xb4: {  	[tilespmem:s9], [sflag:$0x2] =	stream.indirect_vreg.gather [hbm4b:s3+s2], $0x80, v4, vm0, $0xb8;
	[tilespmem:$0x1F900] =	vst v63  }
0xb5: {  	s0 =	rddreg [dreg:$0x17]  }
0xb6: {  	[tilespmem:s0], [sflag:$0x2] =	stream.indirect_vreg.gather [hbm4b:s5+s2], $0x80, v4, vm1, $0xb8;
	[tilespmem:$0x1F900] =	vst v63  }
0xb7: {  	s4 =	rddreg [dreg:$0x18]  }
0xb8: {  	[tilespmem:s4], [sflag:$0x2] =	stream.indirect_vreg.gather [hbm4b:s3+s2], $0x80, v3, vm0, $0xb8;
	[tilespmem:$0x1F900] =	vst v63  }
0xb9: {  	s0 =	rddreg [dreg:$0x19]  }
0xba: {  	[tilespmem:s0], [sflag:$0x2] =	stream.indirect_vreg.gather [hbm4b:s5+s2], $0x80, v3, vm1, $0xb8;
	[tilespmem:$0x1F900] =	vst v63  }
0xbb: {  	v3 =	vld [tilespmem:s31+$0xFFFFFFB0];
	_ =	sdelay $0x4  }
0xbc: {  	v49 =	vshrl.u32 v3, $0x3  }
0xbd: {  	v4 =	vmul.u32 $0x18, v49  }
0xbe: {  	v3 =	vand.u32 $0x7, v3  }
0xbf: {  	v3 =	vor.u32 v3, v4  }
0xc0: {  	v4 =	vperm.xlane v3, v0;
	_ =	sdelay $0x1  }
0xc1: {  	v4 =	vadd.s32 v1, v4;
	_ =	sdelay $0x1  }
0xc2: {  	v3 =	vperm.xlane v3, v2;
	_ =	sdelay $0x1  }
0xc3: {  	s0 =	rddreg [dreg:$0x1a];
	v3 =	vadd.s32 v1, v3  }
0xc4: {  	[tilespmem:s0], [sflag:$0x2] =	stream.indirect_vreg.gather [hbm4b:s3+s2], $0x80, v4, vm0, $0xb8;
	[tilespmem:$0x1F900] =	vst v63  }
0xc5: {  	s4 =	rddreg [dreg:$0x1b]  }
0xc6: {  	[tilespmem:s4], [sflag:$0x2] =	stream.indirect_vreg.gather [hbm4b:s5+s2], $0x80, v4, vm1, $0xb8;
	[tilespmem:$0x1F900] =	vst v63  }
0xc7: {  	s0 =	rddreg [dreg:$0x1c]  }
0xc8: {  	[tilespmem:s0], [sflag:$0x2] =	stream.indirect_vreg.gather [hbm4b:s3+s2], $0x80, v3, vm0, $0xb8;
	[tilespmem:$0x1F900] =	vst v63  }
0xc9: {  	s4 =	rddreg [dreg:$0x1d]  }
0xca: {  	[tilespmem:s4], [sflag:$0x2] =	stream.indirect_vreg.gather [hbm4b:s5+s2], $0x80, v3, vm1, $0xb8;
	[tilespmem:$0x1F900] =	vst v63  }
0xcb: {  	v3 =	vld [tilespmem:s31+$0xFFFFFFC0];
	_ =	sdelay $0x4  }
0xcc: {  	v50 =	vshrl.u32 v3, $0x3  }
0xcd: {  	v4 =	vmul.u32 $0x18, v50  }
0xce: {  	v3 =	vand.u32 $0x7, v3  }
0xcf: {  	v3 =	vor.u32 v3, v4  }
0xd0: {  	v4 =	vperm.xlane v3, v0;
	_ =	sdelay $0x1  }
0xd1: {  	v4 =	vadd.s32 v1, v4;
	_ =	sdelay $0x1  }
0xd2: {  	v3 =	vperm.xlane v3, v2  }
0xd3: {  	s0 =	rddreg [dreg:$0x1e]  }
0xd4: {  	s4 =	rddreg [dreg:$0x1f];
	v3 =	vadd.s32 v1, v3  }
0xd5: {  	[tilespmem:s0], [sflag:$0x2] =	stream.indirect_vreg.gather [hbm4b:s3+s2], $0x80, v4, vm0, $0xb8;
	[tilespmem:$0x1F900] =	vst v63  }
0xd6: {  	s0 =	sld [smem:$0x7D0]  }
0xd7: {  	[tilespmem:s4], [sflag:$0x2] =	stream.indirect_vreg.gather [hbm4b:s5+s2], $0x80, v4, vm1, $0xb8;
	[tilespmem:$0x1F900] =	vst v63  }
0xd8: {  	s4 =	sld [smem:$0x7D1]  }
0xd9: {  	[tilespmem:s0], [sflag:$0x2] =	stream.indirect_vreg.gather [hbm4b:s3+s2], $0x80, v3, vm0, $0xb8;
	[tilespmem:$0x1F900] =	vst v63  }
0xda: {  	_ = 	snop  }
0xdb: {  	[tilespmem:s4], [sflag:$0x2] =	stream.indirect_vreg.gather [hbm4b:s5+s2], $0x80, v3, vm1, $0xb8;
	[tilespmem:$0x1F900] =	vst v63  }
0xdc: {  	v3 =	vld [tilespmem:s31+$0xFFFFFFD0];
	_ =	sdelay $0x4  }
0xdd: {  	v51 =	vshrl.u32 v3, $0x3  }
0xde: {  	v4 =	vmul.u32 $0x18, v51  }
0xdf: {  	v3 =	vand.u32 $0x7, v3  }
0xe0: {  	v3 =	vor.u32 v3, v4  }
0xe1: {  	v4 =	vperm.xlane v3, v0;
	_ =	sdelay $0x1  }
0xe2: {  	v4 =	vadd.s32 v1, v4;
	_ =	sdelay $0x1  }
0xe3: {  	s0 =	sld [smem:$0x7D2];
	v3 =	vperm.xlane v3, v2;
	_ =	sdelay $0x1  }
0xe4: {  	s4 =	sld [smem:$0x7D3];
	v3 =	vadd.s32 v1, v3  }
0xe5: {  	[tilespmem:s0], [sflag:$0x2] =	stream.indirect_vreg.gather [hbm4b:s3+s2], $0x80, v4, vm0, $0xb8;
	[tilespmem:$0x1F900] =	vst v63  }
0xe6: {  	s0 =	sld [smem:$0x7D4]  }
0xe7: {  	[tilespmem:s4], [sflag:$0x2] =	stream.indirect_vreg.gather [hbm4b:s5+s2], $0x80, v4, vm1, $0xb8;
	[tilespmem:$0x1F900] =	vst v63  }
0xe8: {  	s4 =	sld [smem:$0x7D5]  }
0xe9: {  	[tilespmem:s0], [sflag:$0x2] =	stream.indirect_vreg.gather [hbm4b:s3+s2], $0x80, v3, vm0, $0xb8;
	[tilespmem:$0x1F900] =	vst v63  }
0xea: {  	_ = 	snop  }
0xeb: {  	[tilespmem:s4], [sflag:$0x2] =	stream.indirect_vreg.gather [hbm4b:s5+s2], $0x80, v3, vm1, $0xb8;
	[tilespmem:$0x1F900] =	vst v63  }
0xec: {  	v3 =	vld [tilespmem:s31+$0xFFFFFFE0];
	_ =	sdelay $0x4  }
0xed: {  	v52 =	vshrl.u32 v3, $0x3  }
0xee: {  	v4 =	vmul.u32 $0x18, v52  }
0xef: {  	v3 =	vand.u32 $0x7, v3  }
0xf0: {  	v3 =	vor.u32 v3, v4  }
0xf1: {  	v4 =	vperm.xlane v3, v0;
	_ =	sdelay $0x1  }
0xf2: {  	v4 =	vadd.s32 v1, v4;
	_ =	sdelay $0x1  }
0xf3: {  	v3 =	vperm.xlane v3, v2;
	_ =	sdelay $0x1  }
0xf4: {  	s0 =	sld [smem:$0x7D6];
	v3 =	vadd.s32 v1, v3  }
0xf5: {  	[tilespmem:s10], [sflag:$0x3] =	stream.indirect_vreg.gather [hbm4b:s3+s2], $0x80, v4, vm0, $0xb8;
	[tilespmem:$0x1F900] =	vst v63  }
0xf6: {  	s4 =	sld [smem:$0x7D7]  }
0xf7: {  	[tilespmem:s0], [sflag:$0x3] =	stream.indirect_vreg.gather [hbm4b:s5+s2], $0x80, v4, vm1, $0xb8;
	[tilespmem:$0x1F900] =	vst v63  }
0xf8: {  	s0 =	sld [smem:$0x7D8]  }
0xf9: {  	[tilespmem:s4], [sflag:$0x3] =	stream.indirect_vreg.gather [hbm4b:s3+s2], $0x80, v3, vm0, $0xb8;
	[tilespmem:$0x1F900] =	vst v63  }
0xfa: {  	_ = 	snop  }
0xfb: {  	[tilespmem:s0], [sflag:$0x3] =	stream.indirect_vreg.gather [hbm4b:s5+s2], $0x80, v3, vm1, $0xb8;
	[tilespmem:$0x1F900] =	vst v63  }
0xfc: {  	v3 =	vld [tilespmem:s31+$0xFFFFFFF0];
	_ =	sdelay $0x4  }
0xfd: {  	v53 =	vshrl.u32 v3, $0x3  }
0xfe: {  	v4 =	vmul.u32 $0x18, v53  }
0xff: {  	v3 =	vand.u32 $0x7, v3  }
0x100: {  	v3 =	vor.u32 v3, v4  }
0x101: {  	v4 =	vperm.xlane v3, v0;
	_ =	sdelay $0x1  }
0x102: {  	v4 =	vadd.s32 v1, v4;
	_ =	sdelay $0x1  }
0x103: {  	s0 =	sld [smem:$0x7D9];
	v3 =	vperm.xlane v3, v2;
	_ =	sdelay $0x1  }
0x104: {  	s4 =	sld [smem:$0x7DA];
	v3 =	vadd.s32 v1, v3  }
0x105: {  	[tilespmem:s0], [sflag:$0x3] =	stream.indirect_vreg.gather [hbm4b:s3+s2], $0x80, v4, vm0, $0xb8;
	[tilespmem:$0x1F900] =	vst v63  }
0x106: {  	s0 =	sld [smem:$0x7DB]  }
0x107: {  	[tilespmem:s4], [sflag:$0x3] =	stream.indirect_vreg.gather [hbm4b:s5+s2], $0x80, v4, vm1, $0xb8;
	[tilespmem:$0x1F900] =	vst v63  }
0x108: {  	s4 =	sld [smem:$0x7DC]  }
0x109: {  	[tilespmem:s0], [sflag:$0x3] =	stream.indirect_vreg.gather [hbm4b:s3+s2], $0x80, v3, vm0, $0xb8;
	[tilespmem:$0x1F900] =	vst v63  }
0x10a: {  	_ = 	snop  }
0x10b: {  	[tilespmem:s4], [sflag:$0x3] =	stream.indirect_vreg.gather [hbm4b:s5+s2], $0x80, v3, vm1, $0xb8;
	[tilespmem:$0x1F900] =	vst v63  }
0x10c: {  	v3 =	vld [tilespmem:s31+$0x0];
	_ =	sdelay $0x4  }
0x10d: {  	v54 =	vshrl.u32 v3, $0x3  }
0x10e: {  	v4 =	vmul.u32 $0x18, v54  }
0x10f: {  	v3 =	vand.u32 $0x7, v3  }
0x110: {  	v3 =	vor.u32 v3, v4  }
0x111: {  	v4 =	vperm.xlane v3, v0;
	_ =	sdelay $0x1  }
0x112: {  	v4 =	vadd.s32 v1, v4;
	_ =	sdelay $0x1  }
0x113: {  	s0 =	sld [smem:$0x7DD];
	v3 =	vperm.xlane v3, v2;
	_ =	sdelay $0x1  }
0x114: {  	s4 =	sld [smem:$0x7DE];
	v3 =	vadd.s32 v1, v3  }
0x115: {  	[tilespmem:s0], [sflag:$0x3] =	stream.indirect_vreg.gather [hbm4b:s3+s2], $0x80, v4, vm0, $0xb8;
	[tilespmem:$0x1F900] =	vst v63  }
0x116: {  	s0 =	sld [smem:$0x7DF]  }
0x117: {  	[tilespmem:s4], [sflag:$0x3] =	stream.indirect_vreg.gather [hbm4b:s5+s2], $0x80, v4, vm1, $0xb8;
	[tilespmem:$0x1F900] =	vst v63  }
0x118: {  	s4 =	sld [smem:$0x7E0]  }
0x119: {  	[tilespmem:s0], [sflag:$0x3] =	stream.indirect_vreg.gather [hbm4b:s3+s2], $0x80, v3, vm0, $0xb8;
	[tilespmem:$0x1F900] =	vst v63  }
0x11a: {  	_ = 	snop  }
0x11b: {  	[tilespmem:s4], [sflag:$0x3] =	stream.indirect_vreg.gather [hbm4b:s5+s2], $0x80, v3, vm1, $0xb8;
	[tilespmem:$0x1F900] =	vst v63  }
0x11c: {  	v3 =	vld [tilespmem:s31+$0x10];
	_ =	sdelay $0x4  }
0x11d: {  	v55 =	vshrl.u32 v3, $0x3  }
0x11e: {  	v4 =	vmul.u32 $0x18, v55  }
0x11f: {  	v3 =	vand.u32 $0x7, v3  }
0x120: {  	v3 =	vor.u32 v3, v4  }
0x121: {  	v4 =	vperm.xlane v3, v0;
	_ =	sdelay $0x1  }
0x122: {  	v4 =	vadd.s32 v1, v4;
	_ =	sdelay $0x1  }
0x123: {  	s0 =	sld [smem:$0x7E1];
	v3 =	vperm.xlane v3, v2;
	_ =	sdelay $0x1  }
0x124: {  	s4 =	sld [smem:$0x7E2];
	v3 =	vadd.s32 v1, v3  }
0x125: {  	[tilespmem:s0], [sflag:$0x3] =	stream.indirect_vreg.gather [hbm4b:s3+s2], $0x80, v4, vm0, $0xb8;
	[tilespmem:$0x1F900] =	vst v63  }
0x126: {  	s0 =	sld [smem:$0x7E3]  }
0x127: {  	[tilespmem:s4], [sflag:$0x3] =	stream.indirect_vreg.gather [hbm4b:s5+s2], $0x80, v4, vm1, $0xb8;
	[tilespmem:$0x1F900] =	vst v63  }
0x128: {  	s4 =	sld [smem:$0x7E4]  }
0x129: {  	[tilespmem:s0], [sflag:$0x3] =	stream.indirect_vreg.gather [hbm4b:s3+s2], $0x80, v3, vm0, $0xb8;
	[tilespmem:$0x1F900] =	vst v63  }
0x12a: {  	_ = 	snop  }
0x12b: {  	[tilespmem:s4], [sflag:$0x3] =	stream.indirect_vreg.gather [hbm4b:s5+s2], $0x80, v3, vm1, $0xb8;
	[tilespmem:$0x1F900] =	vst v63  }
0x12c: {  	v3 =	vld [tilespmem:s31+$0x20];
	_ =	sdelay $0x4  }
0x12d: {  	v56 =	vshrl.u32 v3, $0x3  }
0x12e: {  	v4 =	vmul.u32 $0x18, v56  }
0x12f: {  	v3 =	vand.u32 $0x7, v3  }
0x130: {  	v3 =	vor.u32 v3, v4  }
0x131: {  	v4 =	vperm.xlane v3, v0;
	_ =	sdelay $0x1  }
0x132: {  	v4 =	vadd.s32 v1, v4;
	_ =	sdelay $0x1  }
0x133: {  	v3 =	vperm.xlane v3, v2;
	_ =	sdelay $0x1  }
0x134: {  	s0 =	sld [smem:$0x7E5];
	v3 =	vadd.s32 v1, v3  }
0x135: {  	[tilespmem:s11], [sflag:$0x4] =	stream.indirect_vreg.gather [hbm4b:s3+s2], $0x80, v4, vm0, $0xb8;
	[tilespmem:$0x1F900] =	vst v63  }
0x136: {  	s4 =	sld [smem:$0x7E6]  }
0x137: {  	[tilespmem:s0], [sflag:$0x4] =	stream.indirect_vreg.gather [hbm4b:s5+s2], $0x80, v4, vm1, $0xb8;
	[tilespmem:$0x1F900] =	vst v63  }
0x138: {  	s0 =	sld [smem:$0x7E7]  }
0x139: {  	[tilespmem:s4], [sflag:$0x4] =	stream.indirect_vreg.gather [hbm4b:s3+s2], $0x80, v3, vm0, $0xb8;
	[tilespmem:$0x1F900] =	vst v63  }
0x13a: {  	_ = 	snop  }
0x13b: {  	[tilespmem:s0], [sflag:$0x4] =	stream.indirect_vreg.gather [hbm4b:s5+s2], $0x80, v3, vm1, $0xb8;
	[tilespmem:$0x1F900] =	vst v63  }
0x13c: {  	v3 =	vld [tilespmem:s31+$0x30];
	_ =	sdelay $0x4  }
0x13d: {  	v57 =	vshrl.u32 v3, $0x3  }
0x13e: {  	v4 =	vmul.u32 $0x18, v57  }
0x13f: {  	v3 =	vand.u32 $0x7, v3  }
0x140: {  	v3 =	vor.u32 v3, v4  }
0x141: {  	v4 =	vperm.xlane v3, v0;
	_ =	sdelay $0x1  }
0x142: {  	v4 =	vadd.s32 v1, v4;
	_ =	sdelay $0x1  }
0x143: {  	s0 =	sld [smem:$0x7E8];
	v3 =	vperm.xlane v3, v2;
	_ =	sdelay $0x1  }
0x144: {  	s4 =	sld [smem:$0x7E9];
	v3 =	vadd.s32 v1, v3  }
0x145: {  	[tilespmem:s0], [sflag:$0x4] =	stream.indirect_vreg.gather [hbm4b:s3+s2], $0x80, v4, vm0, $0xb8;
	[tilespmem:$0x1F900] =	vst v63  }
0x146: {  	s0 =	sld [smem:$0x7EA]  }
0x147: {  	[tilespmem:s4], [sflag:$0x4] =	stream.indirect_vreg.gather [hbm4b:s5+s2], $0x80, v4, vm1, $0xb8;
	[tilespmem:$0x1F900] =	vst v63  }
0x148: {  	s4 =	sld [smem:$0x7EB]  }
0x149: {  	[tilespmem:s0], [sflag:$0x4] =	stream.indirect_vreg.gather [hbm4b:s3+s2], $0x80, v3, vm0, $0xb8;
	[tilespmem:$0x1F900] =	vst v63  }
0x14a: {  	_ = 	snop  }
0x14b: {  	[tilespmem:s4], [sflag:$0x4] =	stream.indirect_vreg.gather [hbm4b:s5+s2], $0x80, v3, vm1, $0xb8;
	[tilespmem:$0x1F900] =	vst v63  }
0x14c: {  	v3 =	vld [tilespmem:s31+$0x40];
	_ =	sdelay $0x4  }
0x14d: {  	v58 =	vshrl.u32 v3, $0x3  }
0x14e: {  	v4 =	vmul.u32 $0x18, v58  }
0x14f: {  	v3 =	vand.u32 $0x7, v3  }
0x150: {  	v3 =	vor.u32 v3, v4  }
0x151: {  	v4 =	vperm.xlane v3, v0;
	_ =	sdelay $0x1  }
0x152: {  	v4 =	vadd.s32 v1, v4;
	_ =	sdelay $0x1  }
0x153: {  	s0 =	sld [smem:$0x7EC];
	v3 =	vperm.xlane v3, v2;
	_ =	sdelay $0x1  }
0x154: {  	s4 =	sld [smem:$0x7ED];
	v3 =	vadd.s32 v1, v3  }
0x155: {  	[tilespmem:s0], [sflag:$0x4] =	stream.indirect_vreg.gather [hbm4b:s3+s2], $0x80, v4, vm0, $0xb8;
	[tilespmem:$0x1F900] =	vst v63  }
0x156: {  	s0 =	sld [smem:$0x7EE]  }
0x157: {  	[tilespmem:s4], [sflag:$0x4] =	stream.indirect_vreg.gather [hbm4b:s5+s2], $0x80, v4, vm1, $0xb8;
	[tilespmem:$0x1F900] =	vst v63  }
0x158: {  	s4 =	sld [smem:$0x7EF]  }
0x159: {  	[tilespmem:s0], [sflag:$0x4] =	stream.indirect_vreg.gather [hbm4b:s3+s2], $0x80, v3, vm0, $0xb8;
	[tilespmem:$0x1F900] =	vst v63  }
0x15a: {  	_ = 	snop  }
0x15b: {  	[tilespmem:s4], [sflag:$0x4] =	stream.indirect_vreg.gather [hbm4b:s5+s2], $0x80, v3, vm1, $0xb8;
	[tilespmem:$0x1F900] =	vst v63  }
0x15c: {  	v3 =	vld [tilespmem:s31+$0x50];
	_ =	sdelay $0x4  }
0x15d: {  	v59 =	vshrl.u32 v3, $0x3  }
0x15e: {  	v4 =	vmul.u32 $0x18, v59  }
0x15f: {  	v3 =	vand.u32 $0x7, v3  }
0x160: {  	v3 =	vor.u32 v3, v4  }
0x161: {  	v4 =	vperm.xlane v3, v0;
	_ =	sdelay $0x1  }
0x162: {  	v4 =	vadd.s32 v1, v4;
	_ =	sdelay $0x1  }
0x163: {  	s0 =	sld [smem:$0x7F0];
	v3 =	vperm.xlane v3, v2;
	_ =	sdelay $0x1  }
0x164: {  	s4 =	sld [smem:$0x7F1];
	v3 =	vadd.s32 v1, v3  }
0x165: {  	[tilespmem:s0], [sflag:$0x4] =	stream.indirect_vreg.gather [hbm4b:s3+s2], $0x80, v4, vm0, $0xb8;
	[tilespmem:$0x1F900] =	vst v63  }
0x166: {  	s0 =	sld [smem:$0x7F2]  }
0x167: {  	[tilespmem:s4], [sflag:$0x4] =	stream.indirect_vreg.gather [hbm4b:s5+s2], $0x80, v4, vm1, $0xb8;
	[tilespmem:$0x1F900] =	vst v63  }
0x168: {  	s4 =	sld [smem:$0x7F4]  }
0x169: {  	[tilespmem:s0], [sflag:$0x4] =	stream.indirect_vreg.gather [hbm4b:s3+s2], $0x80, v3, vm0, $0xb8;
	[tilespmem:$0x1F900] =	vst v63  }
0x16a: {  	_ = 	snop  }
0x16b: {  	[tilespmem:s4], [sflag:$0x4] =	stream.indirect_vreg.gather [hbm4b:s5+s2], $0x80, v3, vm1, $0xb8;
	[tilespmem:$0x1F900] =	vst v63  }
0x16c: {  	v3 =	vld [tilespmem:s31+$0x60];
	_ =	sdelay $0x4  }
0x16d: {  	v60 =	vshrl.u32 v3, $0x3  }
0x16e: {  	v4 =	vmul.u32 $0x18, v60  }
0x16f: {  	v3 =	vand.u32 $0x7, v3  }
0x170: {  	v3 =	vor.u32 v3, v4  }
0x171: {  	v4 =	vperm.xlane v3, v0;
	_ =	sdelay $0x1  }
0x172: {  	v4 =	vadd.s32 v1, v4;
	_ =	sdelay $0x1  }
0x173: {  	v3 =	vperm.xlane v3, v2;
	_ =	sdelay $0x1  }
0x174: {  	s0 =	sld [smem:$0x7F5];
	v3 =	vadd.s32 v1, v3  }
0x175: {  	[tilespmem:s12], [sflag:$0x5] =	stream.indirect_vreg.gather [hbm4b:s3+s2], $0x80, v4, vm0, $0xb8;
	[tilespmem:$0x1F900] =	vst v63  }
0x176: {  	s4 =	sld [smem:$0x7F6]  }
0x177: {  	[tilespmem:s0], [sflag:$0x5] =	stream.indirect_vreg.gather [hbm4b:s5+s2], $0x80, v4, vm1, $0xb8;
	[tilespmem:$0x1F900] =	vst v63  }
0x178: {  	s0 =	sld [smem:$0x7F7]  }
0x179: {  	[tilespmem:s4], [sflag:$0x5] =	stream.indirect_vreg.gather [hbm4b:s3+s2], $0x80, v3, vm0, $0xb8;
	[tilespmem:$0x1F900] =	vst v63  }
0x17a: {  	_ = 	snop  }
0x17b: {  	[tilespmem:s0], [sflag:$0x5] =	stream.indirect_vreg.gather [hbm4b:s5+s2], $0x80, v3, vm1, $0xb8;
	[tilespmem:$0x1F900] =	vst v63  }
0x17c: {  	v3 =	vld [tilespmem:s31+$0x70];
	_ =	sdelay $0x4  }
0x17d: {  	v61 =	vshrl.u32 v3, $0x3  }
0x17e: {  	v4 =	vmul.u32 $0x18, v61  }
0x17f: {  	v3 =	vand.u32 $0x7, v3  }
0x180: {  	v3 =	vor.u32 v3, v4  }
0x181: {  	v4 =	vperm.xlane v3, v0;
	_ =	sdelay $0x1  }
0x182: {  	v4 =	vadd.s32 v1, v4;
	_ =	sdelay $0x1  }
0x183: {  	s0 =	sld [smem:$0x7F8];
	v3 =	vperm.xlane v3, v2;
	_ =	sdelay $0x1  }
0x184: {  	s4 =	sld [smem:$0x7F9];
	v3 =	vadd.s32 v1, v3  }
0x185: {  	[tilespmem:s0], [sflag:$0x5] =	stream.indirect_vreg.gather [hbm4b:s3+s2], $0x80, v4, vm0, $0xb8;
	[tilespmem:$0x1F900] =	vst v63  }
0x186: {  	s0 =	sld [smem:$0x7FA]  }
0x187: {  	[tilespmem:s4], [sflag:$0x5] =	stream.indirect_vreg.gather [hbm4b:s5+s2], $0x80, v4, vm1, $0xb8;
	[tilespmem:$0x1F900] =	vst v63  }
0x188: {  	s4 =	sld [smem:$0x7FB]  }
0x189: {  	[tilespmem:s0], [sflag:$0x5] =	stream.indirect_vreg.gather [hbm4b:s3+s2], $0x80, v3, vm0, $0xb8;
	[tilespmem:$0x1F900] =	vst v63  }
0x18a: {  	_ = 	snop  }
0x18b: {  	[tilespmem:s4], [sflag:$0x5] =	stream.indirect_vreg.gather [hbm4b:s5+s2], $0x80, v3, vm1, $0xb8;
	[tilespmem:$0x1F900] =	vst v63  }
0x18c: {  	v3 =	vld [tilespmem:s31+$0x80];
	_ =	sdelay $0x4  }
0x18d: {  	v62 =	vshrl.u32 v3, $0x3  }
0x18e: {  	v4 =	vmul.u32 $0x18, v62  }
0x18f: {  	v3 =	vand.u32 $0x7, v3  }
0x190: {  	v3 =	vor.u32 v3, v4  }
0x191: {  	v4 =	vperm.xlane v3, v0;
	_ =	sdelay $0x1  }
0x192: {  	v4 =	vadd.s32 v1, v4;
	_ =	sdelay $0x1  }
0x193: {  	s0 =	sld [smem:$0x7FC];
	v3 =	vperm.xlane v3, v2;
	_ =	sdelay $0x1  }
0x194: {  	s4 =	sld [smem:$0x7FD];
	v3 =	vadd.s32 v1, v3  }
0x195: {  	[tilespmem:s0], [sflag:$0x5] =	stream.indirect_vreg.gather [hbm4b:s3+s2], $0x80, v4, vm0, $0xb8;
	[tilespmem:$0x1F900] =	vst v63  }
0x196: {  	_ = 	snop  }
0x197: {  	[tilespmem:s4], [sflag:$0x5] =	stream.indirect_vreg.gather [hbm4b:s5+s2], $0x80, v4, vm1, $0xb8;
	[tilespmem:$0x1F900] =	vst v63  }
0x198: {  	_ = 	snop  }
0x199: {  	[tilespmem:s13], [sflag:$0x5] =	stream.indirect_vreg.gather [hbm4b:s3+s2], $0x80, v3, vm0, $0xb8;
	[tilespmem:$0x1F900] =	vst v63  }
0x19a: {  	_ = 	snop  }
0x19b: {  	[tilespmem:s14], [sflag:$0x5] =	stream.indirect_vreg.gather [hbm4b:s5+s2], $0x80, v3, vm1, $0xb8;
	[tilespmem:$0x1F900] =	vst v63  }
0x19c: {  	v3 =	vld [tilespmem:s31+$0x90];
	_ =	sdelay $0x4  }
0x19d: {  	v63 =	vshrl.u32 v3, $0x3  }
0x19e: {  	v4 =	vmul.u32 $0x18, v63  }
0x19f: {  	v3 =	vand.u32 $0x7, v3  }
0x1a0: {  	v3 =	vor.u32 v3, v4  }
0x1a1: {  	v4 =	vperm.xlane v3, v0;
	_ =	sdelay $0x1  }
0x1a2: {  	v4 =	vadd.s32 v1, v4;
	_ =	sdelay $0x1  }
0x1a3: {  	v3 =	vperm.xlane v3, v2;
	_ =	sdelay $0x1  }
0x1a4: {  	v3 =	vadd.s32 v1, v3  }
0x1a5: {  	[tilespmem:s15], [sflag:$0x5] =	stream.indirect_vreg.gather [hbm4b:s3+s2], $0x80, v4, vm0, $0xb8;
	[tilespmem:$0x1F900] =	vst v63  }
0x1a6: {  	_ = 	snop  }
0x1a7: {  	[tilespmem:s16], [sflag:$0x5] =	stream.indirect_vreg.gather [hbm4b:s5+s2], $0x80, v4, vm1, $0xb8;
	[tilespmem:$0x1F900] =	vst v63  }
0x1a8: {  	_ = 	snop  }
0x1a9: {  	[tilespmem:s17], [sflag:$0x5] =	stream.indirect_vreg.gather [hbm4b:s3+s2], $0x80, v3, vm0, $0xb8;
	[tilespmem:$0x1F900] =	vst v63  }
0x1aa: {  	_ = 	snop  }
0x1ab: {  	[tilespmem:s18], [sflag:$0x5] =	stream.indirect_vreg.gather [hbm4b:s5+s2], $0x80, v3, vm1, $0xb8;
	[tilespmem:$0x1F900] =	vst v63  }
0x1ac: {  	_ =	swait.ge [sflag:s19], $0x6000  }
0x1ad: {  	s4 =	rddreg [dreg:$0x3];
	[sflag:s19] =	ssyncset.done $0x0  }
0x1ae: {  	[sflag:s19] =	ssyncadd.s32 $0xFFFFA000;
	s0 =	sadd.s32 s1, s4  }
0x1af: {  	[hbm4b:s0+s2] =	stream.linear.scatter [tilespmem:s8], [sflag:$0x6], $0x6000, $0x38;
	[tilespmem:$0x1F900] =	vst v63  }
0x1b0: {  	_ =	swait.ge [sflag:s20], $0x6000  }
0x1b1: {  	s4 =	rddreg [dreg:$0x4];
	[sflag:s20] =	ssyncset.done $0x0  }
0x1b2: {  	[sflag:s20] =	ssyncadd.s32 $0xFFFFA000;
	s0 =	sadd.s32 s1, s4  }
0x1b3: {  	[hbm4b:s0+s2] =	stream.linear.scatter [tilespmem:s9], [sflag:$0x7], $0x6000, $0x38;
	[tilespmem:$0x1F900] =	vst v63  }
0x1b4: {  	_ =	swait.ge [sflag:s21], $0x6000  }
0x1b5: {  	s4 =	rddreg [dreg:$0x5];
	[sflag:s21] =	ssyncset.done $0x0  }
0x1b6: {  	[sflag:s21] =	ssyncadd.s32 $0xFFFFA000;
	s0 =	sadd.s32 s1, s4  }
0x1b7: {  	[hbm4b:s0+s2] =	stream.linear.scatter [tilespmem:s10], [sflag:$0x8], $0x6000, $0x38;
	[tilespmem:$0x1F900] =	vst v63  }
0x1b8: {  	_ =	swait.ge [sflag:s22], $0x6000  }
0x1b9: {  	s4 =	rddreg [dreg:$0x7];
	[sflag:s22] =	ssyncset.done $0x0  }
0x1ba: {  	[sflag:s22] =	ssyncadd.s32 $0xFFFFA000;
	s0 =	sadd.s32 s1, s4  }
0x1bb: {  	[hbm4b:s0+s2] =	stream.linear.scatter [tilespmem:s11], [sflag:$0x9], $0x6000, $0x38;
	[tilespmem:$0x1F900] =	vst v63  }
0x1bc: {  	_ =	swait.ge [sflag:s23], $0x6000  }
0x1bd: {  	s4 =	rddreg [dreg:$0x6]  }
0x1be: {  	s0 =	sadd.s32 s1, s4;
	s1 =	sadd.s32 $0x3C00, s1  }
0x1bf: {  	p0 =	sne.s32 s1, $0x4B000  }
.Ltmp0:
0x1c0: {  	_ = 	snop;
	(pc) =	sbr.rel @p0 .LBB2_2-.Ltmp0, $4  }
0x1c1: {  	_ = 	snop  }
0x1c2: {  	[sflag:s23] =	ssyncset.done $0x0  }
0x1c3: {  	s31 =	sadd.s32 $0x140, s31;
	[sflag:s23] =	ssyncadd.s32 $0xFFFFA000  }
0x1c4: {  	[hbm4b:s0+s2] =	stream.linear.scatter [tilespmem:s12], [sflag:$0xA], $0x6000, $0x38;
	[tilespmem:$0x1F900] =	vst v63  }
0x1c5: {  	_ =	swait.ge [sflag:s24], $0x6000  }
0x1c6: {  	[sflag:s24] =	ssyncset.done $0x0  }
0x1c7: {  	[sflag:s24] =	ssyncadd.s32 $0xFFFFA000  }
0x1c8: {  	_ =	swait.ge [sflag:s25], $0x6000  }
0x1c9: {  	[sflag:s25] =	ssyncset.done $0x0  }
0x1ca: {  	[sflag:s25] =	ssyncadd.s32 $0xFFFFA000  }
0x1cb: {  	_ =	swait.ge [sflag:s26], $0x6000  }
0x1cc: {  	[sflag:s26] =	ssyncset.done $0x0  }
0x1cd: {  	s30 =	sadd.s32 $0x1, s30;
	[sflag:s26] =	ssyncadd.s32 $0xFFFFA000  }
0x1ce: {  	p0 =	sne.s32 s30, s6;
	_ =	swait.ge [sflag:s28], $0x6000  }
.Ltmp1:
0x1cf: {  	[sflag:s28] =	ssyncset.done $0x0;
	(pc) =	sbr.rel @p0 .LBB2_1-.Ltmp1, $4  }
0x1d0: {  	[sflag:s28] =	ssyncadd.s32 $0xFFFFA000  }
0x1d1: {  	_ =	swait.ge [sflag:s29], $0x6000  }
0x1d2: {  	[sflag:s29] =	ssyncset.done $0x0  }
0x1d3: {  	[sflag:s29] =	ssyncadd.s32 $0xFFFFA000  }
0x1d4: {  	_ =	sfence.sel $0x180000  }
0x1d5: {  	[bflag:$0x0] =	sbarrier.arrive $0xFFFF  }
0x1d6: {  	_ =	strace $0x90000047  }
0x1d7: {  	s0 =	stileid.u32;
	[bflag:$0x2] =	sbarrier.arrive $0xFFFF  }
0x1d8: {  	p0 =	sne.s32 s0, $0x0;
	s0 =	rddreg [dreg:$0x2]  }
0x1d9: {  	s0 =	sadd.s32 @!p0 $0x100000, s0  }
0x1da: {  	[sflag:s0] =	ssyncadd.tile.s32 @!p0 $0x1;
	_ =	shalt  }
.Lfunc_end2:
_tile_overlayer_lowered:
.L_overlay_start_2:
0x1db: {  	(tag) =	ssettag $0x2  }
0x1dc: {  	s0 =	rddreg [dreg:$0x0];
	s2 =	stileid.u32  }
0x1dd: {  	s1 =	rddreg [dreg:$0x1];
	p0 =	sne.s32 s2, $0x0  }
0x1de: {  	s3 =	rddreg [dreg:$0x2];
	[bflag:$0x3] =	sbarrier.arrive $0xFFFF;
	s2 =	simm.s32 @!p0 $0x1C0B  }
0x1df: {  	[timem:s3], [sflag:s2] =	dma.local @!p0 [hbm:s0], s1  }
0x1e0: {  	s0 =	simm.s32 @!p0 $0xB  }
0x1e1: {  	_ =	swait.ge @!p0 [sflag:s0], s1  }
0x1e2: {  	s1 =	ssub.s32 @!p0 $0x0, s1;
	[sflag:s0] =	ssyncset.done @!p0 $0x0  }
0x1e3: {  	[sflag:s0] =	ssyncadd.s32 @!p0 s1  }
0x1e4: {  	[bflag:$0x3] =	sbarrier.arrive $0xFFFF  }
0x1e5: {  	_ =	shalt  }

</sc_bundles>
